<compile_context>
chip_gen: v7x
topology: tpu7x:2x2x1
jax: 0.10.2.dev20260603
libtpu: 0.0.44.dev20260713+nightly
codegen_flags: <defaults>
</compile_context>

<pallas_src>
import functools

import jax
import jax.numpy as jnp
from jax import lax
from jax.experimental import pallas as pl
from jax.experimental.pallas import tpu as pltpu
from jax.experimental.pallas import tpu_sc as plsc

D = 256
CB = 8192
NTOK = 8192
BM = 256
BN = 512
NBLK = NTOK // BM
NJ = CB // BN
S = 1024
SBLK = S // BM

PAD_ROW = CB
NW = 32
BPW = NTOK // NW


def _tc_body(len_ref, x_ref, x2_ref, y2_ref, e_ref, ind_ref, gidx_ref):
    i = pl.program_id(0)
    s_off = (i % SBLK) * BM
    rem = len_ref[i // SBLK] - s_off

    x_blk = x_ref[...]
    x2 = x2_ref[...]
    base_ids = lax.broadcasted_iota(jnp.int32, (BM, BN), 1)

    def j_step(j, run_key):
        e_blk = e_ref[pl.ds(j * BN, BN), :]
        y2 = y2_ref[:, pl.ds(j * BN, BN)]
        xy = lax.dot_general(x_blk, e_blk, (((1,), (1,)), ((), ())),
                             preferred_element_type=jnp.float32)
        t = jnp.maximum((x2 + y2) + xy * (-2.0), 0.0)
        tb = lax.bitcast_convert_type(t, jnp.int32)
        key = (tb & ~jnp.int32(0x1FFF)) | (base_ids + j * BN)
        m = jnp.min(key, axis=1, keepdims=True)
        return jnp.minimum(run_key, m)

    init = jnp.full((BM, 1), jnp.int32(0x7FFFFFFF))
    run_key = lax.cond(
        rem > 0,
        lambda: lax.fori_loop(0, NJ, j_step, init, unroll=True),
        lambda: init,
    )
    run_arg = run_key & jnp.int32(0x1FFF)

    valid = lax.broadcasted_iota(jnp.int32, (BM, 1), 0) < rem
    ind_ref[...] = jnp.where(valid, run_arg, -1)
    gidx_ref[...] = jnp.where(valid, run_arg, PAD_ROW)


_tc_call = pl.pallas_call(
    _tc_body,
    grid=(NBLK,),
    in_specs=[
        pl.BlockSpec(memory_space=pltpu.SMEM),
        pl.BlockSpec((BM, D), lambda i: (i, 0)),
        pl.BlockSpec((BM, 1), lambda i: (i, 0)),
        pl.BlockSpec((1, CB), lambda i: (0, 0)),
        pl.BlockSpec((CB, D), lambda i: (0, 0)),
    ],
    out_specs=[
        pl.BlockSpec((BM, 1), lambda i: (i, 0)),
        pl.BlockSpec((BM, 1), lambda i: (i, 0)),
    ],
    out_shape=[
        jax.ShapeDtypeStruct((NTOK, 1), jnp.int32),
        jax.ShapeDtypeStruct((NTOK, 1), jnp.int32),
    ],
)


def _sc_gather_body(table_ref, gidx_ref, out_ref, idx_v, rows_v, sem):
    wid = lax.axis_index("s") * 2 + lax.axis_index("c")
    base = wid * BPW
    pltpu.sync_copy(gidx_ref.at[pl.ds(base, BPW)], idx_v)
    pltpu.async_copy(table_ref.at[idx_v], rows_v, sem).wait()
    pltpu.sync_copy(rows_v, out_ref.at[pl.ds(base, BPW)])


@functools.cache
def _sc_gather():
    return pl.kernel(
        _sc_gather_body,
        out_type=jax.ShapeDtypeStruct((NTOK, D), jnp.float32),
        mesh=plsc.VectorSubcoreMesh(core_axis_name="c", subcore_axis_name="s"),
        scratch_types=[
            pltpu.VMEM((BPW,), jnp.int32),
            pltpu.VMEM((BPW, D), jnp.float32),
            pltpu.SemaphoreType.DMA,
        ],
    )


def kernel(x, input_length, embed):
    batch, seq, dim = x.shape
    x_flat = x.reshape(NTOK, dim)
    x2 = jnp.sum(x_flat ** 2, axis=-1, keepdims=True)
    y2 = jnp.sum(embed ** 2, axis=-1).reshape(1, -1)
    ind2d, gidx2d = _tc_call(input_length, x_flat.astype(jnp.bfloat16), x2, y2,
                             embed.astype(jnp.bfloat16))
    gidx = gidx2d.reshape(NTOK)
    padded = jnp.concatenate([embed, jnp.zeros((8, dim), embed.dtype)], axis=0)
    quant = _sc_gather()(padded, gidx)
    return quant.reshape(batch, seq, dim), ind2d.reshape(batch, seq)

# --- scband reference (transcript-rebuilt; emitter-appended) ---
"""Pipeline reference for scband-vector-quantize-67044439490971 (READ-ONLY COPY).

The authoritative reference and input builder live on the scoring server;
editing this copy changes nothing except your own understanding.
"""

import jax, jax.numpy as jnp
import numpy as np
import math

DIM = 256
CODEBOOK_SIZE = 8192
B, S = 8, 1024


def cdist(x, y):
    x2 = jnp.sum(x ** 2, axis=-1, keepdims=True)
    y2 = jnp.sum(y ** 2, axis=-1).reshape(1, -1)
    xy = jnp.einsum('bd,cd->bc', x, y) * -2
    return jnp.sqrt(jnp.clip(x2 + y2 + xy, 0, None))


def setup_inputs(seed: int = 0) -> dict:
    key = jax.random.key(seed)
    k1, k2, k3 = jax.random.split(key, 3)
    x = jax.random.normal(k1, (B, S, DIM), dtype=jnp.float32)
    input_length = jax.random.randint(k2, (B,), 1, S + 1, dtype=jnp.int32)
    # kaiming_uniform-style init for the codebook (codebook_size, dim)
    fan_in = DIM
    gain = math.sqrt(2.0 / (1.0 + 5.0))  # a=sqrt(5) default of kaiming_uniform_
    bound = math.sqrt(3.0) * gain / math.sqrt(fan_in)
    embed = jax.random.uniform(k3, (CODEBOOK_SIZE, DIM), minval=-bound, maxval=bound, dtype=jnp.float32)
    return {"x": x, "input_length": input_length, "embed": embed}


def reference(x, input_length, embed):
    batch_size, seq_len, dim = x.shape
    # get_sequence_mask
    seq_range = jnp.arange(seq_len)
    mask = (seq_range[None, :] < input_length[:, None])[..., None]  # [B, S, 1]
    mask_flat = mask.reshape(-1)
    unpacking_index = jnp.cumsum(mask_flat.astype(jnp.int32)) - 1
    # masked_select equivalent with static shapes: stable-sort valid tokens to the front
    perm = jnp.argsort(jnp.logical_not(mask_flat).astype(jnp.int32))  # stable sort: valid tokens first, in order
    x_flat = x.astype(jnp.float32).reshape(-1, dim)
    x_compact = jnp.take(x_flat, perm, axis=0)
    # EuclideanCodebook.forward
    dist = -cdist(x_compact, embed)
    embed_ind = jnp.argmax(dist, axis=-1)
    quantize_c = jnp.take(embed, embed_ind, axis=0)
    # unpack back to [B, S, dim]
    gather_idx = jnp.clip(unpacking_index, 0, None)
    quantize = jnp.take(quantize_c, gather_idx, axis=0).reshape(batch_size, seq_len, dim)
    quantize = jnp.where(mask, quantize, 0.0)
    ind = jnp.take(embed_ind.reshape(-1, 1), gather_idx, axis=0).reshape(batch_size, seq_len, 1)
    ind = jnp.where(mask, ind, -1)
    ind = jnp.squeeze(ind, axis=-1)
    return quantize, ind


if False:  # reference __main__ guard neutralized (emitter)
    out = reference(**setup_inputs())
    print(out[0].shape, out[1].shape)

if __name__ == "__main__":
    import jax
    _d = setup_inputs()
    print(jax.jit(kernel)(*tuple(_d.values())))

</pallas_src>

<mosaic_0001>
#map = affine_map<(d0, d1) -> (0, 0)>
#map1 = affine_map<(d0, d1) -> (0)>
module attributes {stable_mosaic.version = 14 : i64} {
  func.func @_sc_gather_body(%arg0: i32, %arg1: i32, %arg2: memref<8200x256xf32, #tpu.memory_space<hbm>>, %arg3: memref<8192xi32, #tpu.memory_space<hbm>>, %arg4: memref<8192x256xf32, #tpu.memory_space<hbm>>, %arg5: memref<256xi32, #tpu.memory_space<vmem>>, %arg6: memref<256x256xf32, #tpu.memory_space<vmem>>, %arg7: memref<!tpu.dma_semaphore, #tpu.memory_space<semaphore_mem>>) attributes {dimension_semantics = [#tpu.dimension_semantics<core_parallel>, #tpu.dimension_semantics<subcore_parallel>], iteration_bounds = array<i64: 2, 16>, scalar_prefetch = 0 : i64, scratch_operands = 3 : i64, tpu.core_type = #tpu.core_type<sc_vector_subcore>, window_params = [{transform_indices = #map}, {transform_indices = #map1}, {transform_indices = #map}]} {
    %mul3A = arith.constant 2 : i32
    %mul3A_0 = arith.muli %arg1, %mul3A : i32
    %add3A = arith.addi %mul3A_0, %arg0 : i32
    %mul3A_1 = arith.constant 256 : i32
    %mul3A_2 = arith.muli %add3A, %mul3A_1 : i32
    "tpu.region"() ({
      %run_scoped3A = tpu.sem_alloc : memref<!tpu.dma_semaphore, #tpu.memory_space<semaphore_mem>>
      %dma_start3A_7 = tpu.memref_slice %arg3[%mul3A_2] : memref<8192xi32, #tpu.memory_space<hbm>> -> memref<256xi32, #tpu.memory_space<hbm>>
      %dma_start3A_8 = tpu.memref_slice %arg3[%mul3A_2] : memref<8192xi32, #tpu.memory_space<hbm>> -> memref<256xi32, #tpu.memory_space<hbm>>
      tpu.enqueue_dma source(%dma_start3A_8 : memref<256xi32, #tpu.memory_space<hbm>>) target(%arg5 : memref<256xi32, #tpu.memory_space<vmem>>) target_semaphore(%run_scoped3A : memref<!tpu.dma_semaphore, #tpu.memory_space<semaphore_mem>>)
      %dma_wait3A_9 = tpu.memref_slice %arg3[%mul3A_2] : memref<8192xi32, #tpu.memory_space<hbm>> -> memref<256xi32, #tpu.memory_space<hbm>>
      %dma_wait3A_10 = tpu.memref_slice %arg3[%mul3A_2] : memref<8192xi32, #tpu.memory_space<hbm>> -> memref<256xi32, #tpu.memory_space<hbm>>
      tpu.wait_dma2 semaphore(%run_scoped3A : memref<!tpu.dma_semaphore, #tpu.memory_space<semaphore_mem>>) src(%dma_wait3A_10 : memref<256xi32, #tpu.memory_space<hbm>>) dst(%arg5 : memref<256xi32, #tpu.memory_space<vmem>>)
      tpu.yield
    }) : () -> ()
    %dma_start3A = arith.constant 0 : i32
    %dma_start3A_3 = arith.constant 0 : i32
    %dma_start3A_4 = tpu.memref_slice %arg2[%dma_start3A, %dma_start3A_3] : memref<8200x256xf32, #tpu.memory_space<hbm>> -> memref<8200x256xf32, #tpu.memory_space<hbm>>
    tpu.enqueue_indirect_dma source(%dma_start3A_4 : memref<8200x256xf32, #tpu.memory_space<hbm>>) target(%arg6 : memref<256x256xf32, #tpu.memory_space<vmem>>) offsets(%arg5 : memref<256xi32, #tpu.memory_space<vmem>>) semaphore(%arg7 : memref<!tpu.dma_semaphore, #tpu.memory_space<semaphore_mem>>)
    %dma_wait3A = arith.constant 0 : i32
    %dma_wait3A_5 = arith.constant 0 : i32
    %dma_wait3A_6 = tpu.memref_slice %arg2[%dma_wait3A, %dma_wait3A_5] : memref<8200x256xf32, #tpu.memory_space<hbm>> -> memref<8200x256xf32, #tpu.memory_space<hbm>>
    tpu.wait_indirect_dma semaphore(%arg7 : memref<!tpu.dma_semaphore, #tpu.memory_space<semaphore_mem>>) src(%dma_wait3A_6 : memref<8200x256xf32, #tpu.memory_space<hbm>>) dst(%arg6 : memref<256x256xf32, #tpu.memory_space<vmem>>)
    "tpu.region"() ({
      %run_scoped3A = tpu.sem_alloc : memref<!tpu.dma_semaphore, #tpu.memory_space<semaphore_mem>>
      %dma_start3A_7 = arith.constant 0 : i32
      %dma_start3A_8 = tpu.memref_slice %arg4[%mul3A_2, %dma_start3A_7] : memref<8192x256xf32, #tpu.memory_space<hbm>> -> memref<256x256xf32, #tpu.memory_space<hbm>>
      %dma_start3A_9 = arith.constant 0 : i32
      %dma_start3A_10 = tpu.memref_slice %arg4[%mul3A_2, %dma_start3A_9] : memref<8192x256xf32, #tpu.memory_space<hbm>> -> memref<256x256xf32, #tpu.memory_space<hbm>>
      tpu.enqueue_dma source(%arg6 : memref<256x256xf32, #tpu.memory_space<vmem>>) target(%dma_start3A_10 : memref<256x256xf32, #tpu.memory_space<hbm>>) target_semaphore(%run_scoped3A : memref<!tpu.dma_semaphore, #tpu.memory_space<semaphore_mem>>)
      %dma_wait3A_11 = arith.constant 0 : i32
      %dma_wait3A_12 = tpu.memref_slice %arg4[%mul3A_2, %dma_wait3A_11] : memref<8192x256xf32, #tpu.memory_space<hbm>> -> memref<256x256xf32, #tpu.memory_space<hbm>>
      %dma_wait3A_13 = arith.constant 0 : i32
      %dma_wait3A_14 = tpu.memref_slice %arg4[%mul3A_2, %dma_wait3A_13] : memref<8192x256xf32, #tpu.memory_space<hbm>> -> memref<256x256xf32, #tpu.memory_space<hbm>>
      tpu.wait_dma2 semaphore(%run_scoped3A : memref<!tpu.dma_semaphore, #tpu.memory_space<semaphore_mem>>) src(%arg6 : memref<256x256xf32, #tpu.memory_space<vmem>>) dst(%dma_wait3A_14 : memref<256x256xf32, #tpu.memory_space<hbm>>)
      tpu.yield
    }) : () -> ()
    return
  }
}

module attributes {stable_mosaic.version = 14 : i64} {
  func.func @_tc_body(%arg0: i32, %arg1: memref<8xi32, #tpu.memory_space<smem>>, %arg2: memref<256x256xbf16, #tpu.memory_space<vmem>>, %arg3: memref<256x1xf32, #tpu.memory_space<vmem>>, %arg4: memref<1x8192xf32, #tpu.memory_space<vmem>>, %arg5: memref<8192x256xbf16, #tpu.memory_space<vmem>>, %arg6: memref<256x1xi32, #tpu.memory_space<vmem>>, %arg7: memref<256x1xi32, #tpu.memory_space<vmem>>) attributes {dimension_semantics = [#tpu.dimension_semantics<arbitrary>], iteration_bounds = array<i64: 32>, scalar_prefetch = 0 : i64, scratch_operands = 0 : i64, tpu.core_type = #tpu.core_type<tc>, window_params = [{transform_indices = @transform_0, window_bounds = array<i64: 8>}, {transform_indices = @transform_1, window_bounds = array<i64: 256, 256>}, {transform_indices = @transform_2, window_bounds = array<i64: 256, 1>}, {pipeline_mode = #tpu.pipeline_mode<synchronous>, transform_indices = @transform_3, window_bounds = array<i64: 1, 8192>}, {pipeline_mode = #tpu.pipeline_mode<synchronous>, transform_indices = @transform_4, window_bounds = array<i64: 8192, 256>}, {transform_indices = @transform_5, window_bounds = array<i64: 256, 1>}, {transform_indices = @transform_6, window_bounds = array<i64: 256, 1>}]} {
    %jit3A = arith.constant 4 : i32
    %eq3A = arith.constant 0 : i32
    %eq3A_0 = arith.cmpi eq, %jit3A, %eq3A : i32
    %jit3A_1 = arith.constant 1 : i32
    %select_n3A = arith.select %eq3A_0, %jit3A_1, %jit3A : i32
    %rem3A = arith.remsi %arg0, %select_n3A : i32
    %ne3A = arith.constant 0 : i32
    %ne3A_2 = arith.cmpi ne, %rem3A, %ne3A : i32
    %lt3A = arith.constant 0 : i32
    %lt3A_3 = arith.cmpi slt, %rem3A, %lt3A : i32
    %lt3A_4 = arith.constant 0 : i32
    %lt3A_5 = arith.cmpi slt, %select_n3A, %lt3A_4 : i32
    %ne3A_6 = arith.xori %lt3A_3, %lt3A_5 : i1
    %and3A = arith.andi %ne3A_6, %ne3A_2 : i1
    %add3A = arith.addi %rem3A, %select_n3A : i32
    %select_n3A_7 = arith.select %and3A, %add3A, %rem3A : i32
    %mul3A = arith.constant 256 : i32
    %mul3A_8 = arith.muli %select_n3A_7, %mul3A : i32
    %jit3A_9 = arith.constant 4 : i32
    %div3A = arith.divsi %arg0, %jit3A_9 : i32
    %sign3A = arith.constant 0 : i32
    %sign3A_10 = arith.cmpi sgt, %arg0, %sign3A : i32
    %sign3A_11 = arith.extui %sign3A_10 : i1 to i32
    %sign3A_12 = arith.constant 0 : i32
    %sign3A_13 = arith.cmpi slt, %arg0, %sign3A_12 : i32
    %sign3A_14 = arith.extui %sign3A_13 : i1 to i32
    %sign3A_15 = arith.subi %sign3A_11, %sign3A_14 : i32
    %sign3A_16 = arith.constant 0 : i32
    %sign3A_17 = arith.cmpi sgt, %jit3A_9, %sign3A_16 : i32
    %sign3A_18 = arith.extui %sign3A_17 : i1 to i32
    %sign3A_19 = arith.constant 0 : i32
    %sign3A_20 = arith.cmpi slt, %jit3A_9, %sign3A_19 : i32
    %sign3A_21 = arith.extui %sign3A_20 : i1 to i32
    %sign3A_22 = arith.subi %sign3A_18, %sign3A_21 : i32
    %ne3A_23 = arith.cmpi ne, %sign3A_15, %sign3A_22 : i32
    %rem3A_24 = arith.remsi %arg0, %jit3A_9 : i32
    %ne3A_25 = arith.constant 0 : i32
    %ne3A_26 = arith.cmpi ne, %rem3A_24, %ne3A_25 : i32
    %and3A_27 = arith.andi %ne3A_23, %ne3A_26 : i1
    %sub3A = arith.constant 1 : i32
    %sub3A_28 = arith.subi %div3A, %sub3A : i32
    %select_n3A_29 = arith.select %and3A_27, %sub3A_28, %div3A : i32
    %get3A = arith.index_cast %select_n3A_29 : i32 to index
    %get3A_30 = memref.load %arg1[%get3A] : memref<8xi32, #tpu.memory_space<smem>>
    %sub3A_31 = arith.subi %get3A_30, %mul3A_8 : i32
    %get3A_32 = arith.constant 0 : index
    %get3A_33 = arith.constant 0 : index
    %get3A_34 = vector.load %arg2[%get3A_32, %get3A_33] : memref<256x256xbf16, #tpu.memory_space<vmem>>, vector<256x256xbf16>
    %get3A_35 = arith.constant 0 : index
    %get3A_36 = arith.constant 0 : index
    %get3A_37 = vector.load %arg3[%get3A_35, %get3A_36] : memref<256x1xf32, #tpu.memory_space<vmem>>, vector<256x1xf32>
    %iota3A = tpu.iota {dimensions = array<i32: 1>} : vector<256x512xi32>
    %broadcast_in_dim3A = arith.constant 2147483647 : i32
    %broadcast_in_dim3A_38 = vector.broadcast %broadcast_in_dim3A : i32 to vector<256x1xi32>
    %gt3A = arith.constant 0 : i32
    %gt3A_39 = arith.cmpi sgt, %sub3A_31, %gt3A : i32
    %convert_element_type3A = arith.extui %gt3A_39 : i1 to i32
    %cond3A = arith.constant 0 : i32
    %cond3A_40 = arith.cmpi ne, %convert_element_type3A, %cond3A : i32
    %cond3A_41 = scf.if %cond3A_40 -> (vector<256x1xi32>) {
      %scan3A = arith.constant 0 : i32
      %mul3A_59 = arith.constant 512 : i32
      %mul3A_60 = arith.muli %scan3A, %mul3A_59 : i32
      %get3A_61 = arith.index_cast %mul3A_60 : i32 to index
      %get3A_62 = arith.constant 0 : index
      %get3A_63 = vector.load %arg5[%get3A_61, %get3A_62] : memref<8192x256xbf16, #tpu.memory_space<vmem>>, vector<512x256xbf16>
      %mul3A_64 = arith.constant 512 : i32
      %mul3A_65 = arith.muli %scan3A, %mul3A_64 : i32
      %get3A_66 = arith.constant 0 : index
      %get3A_67 = arith.index_cast %mul3A_65 : i32 to index
      %get3A_68 = vector.load %arg4[%get3A_66, %get3A_67] : memref<1x8192xf32, #tpu.memory_space<vmem>>, vector<1x512xf32>
      %dot_general3A = arith.constant dense<0.000000e+00> : vector<256x512xf32>
      %dot_general3A_69 = tpu.matmul %get3A_34, %get3A_63, %dot_general3A {dimension_numbers = #tpu.dot_dimension_numbers<[1], [1], [0], [0], [0, 0, 1, 0], [], []>, transpose_lhs_hint = false} : vector<256x256xbf16>, vector<512x256xbf16>, vector<256x512xf32> -> vector<256x512xf32>
      %add3A_70 = vector.broadcast %get3A_37 : vector<256x1xf32> to vector<256x512xf32>
      %add3A_71 = vector.broadcast %get3A_68 : vector<1x512xf32> to vector<256x512xf32>
      %add3A_72 = arith.addf %add3A_70, %add3A_71 : vector<256x512xf32>
      %mul3A_73 = arith.constant -2.000000e+00 : f32
      %mul3A_74 = vector.broadcast %mul3A_73 : f32 to vector<256x512xf32>
      %mul3A_75 = arith.mulf %dot_general3A_69, %mul3A_74 : vector<256x512xf32>
      %add3A_76 = arith.addf %add3A_72, %mul3A_75 : vector<256x512xf32>
      %max3A = arith.constant 0.000000e+00 : f32
      %max3A_77 = vector.broadcast %max3A : f32 to vector<256x512xf32>
      %max3A_78 = arith.maximumf %add3A_76, %max3A_77 : vector<256x512xf32>
      %bitcast_convert_type3A = tpu.bitcast %max3A_78 : vector<256x512xf32> -> vector<256x512xi32>
      %not3A = arith.constant 8191 : i32
      %not3A_79 = arith.constant -1 : i32
      %not3A_80 = arith.xori %not3A, %not3A_79 : i32
      %and3A_81 = vector.broadcast %not3A_80 : i32 to vector<256x512xi32>
      %and3A_82 = arith.andi %bitcast_convert_type3A, %and3A_81 : vector<256x512xi32>
      %mul3A_83 = arith.constant 512 : i32
      %mul3A_84 = arith.muli %scan3A, %mul3A_83 : i32
      %add3A_85 = vector.broadcast %mul3A_84 : i32 to vector<256x512xi32>
      %add3A_86 = arith.addi %iota3A, %add3A_85 : vector<256x512xi32>
      %or3A = arith.ori %and3A_82, %add3A_86 : vector<256x512xi32>
      %reduce_min3A = arith.constant dense<2147483647> : vector<256xi32>
      %reduce_min3A_87 = vector.multi_reduction <minsi>, %or3A, %reduce_min3A [1] : vector<256x512xi32> to vector<256xi32>
      %broadcast_in_dim3A_88 = vector.shape_cast %reduce_min3A_87 : vector<256xi32> to vector<256x1xi32>
      %min3A = arith.minsi %broadcast_in_dim3A_38, %broadcast_in_dim3A_88 : vector<256x1xi32>
      %scan3A_89 = arith.constant 1 : i32
      %mul3A_90 = arith.constant 512 : i32
      %mul3A_91 = arith.muli %scan3A_89, %mul3A_90 : i32
      %get3A_92 = arith.index_cast %mul3A_91 : i32 to index
      %get3A_93 = arith.constant 0 : index
      %get3A_94 = vector.load %arg5[%get3A_92, %get3A_93] : memref<8192x256xbf16, #tpu.memory_space<vmem>>, vector<512x256xbf16>
      %mul3A_95 = arith.constant 512 : i32
      %mul3A_96 = arith.muli %scan3A_89, %mul3A_95 : i32
      %get3A_97 = arith.constant 0 : index
      %get3A_98 = arith.index_cast %mul3A_96 : i32 to index
      %get3A_99 = vector.load %arg4[%get3A_97, %get3A_98] : memref<1x8192xf32, #tpu.memory_space<vmem>>, vector<1x512xf32>
      %dot_general3A_100 = arith.constant dense<0.000000e+00> : vector<256x512xf32>
      %dot_general3A_101 = tpu.matmul %get3A_34, %get3A_94, %dot_general3A_100 {dimension_numbers = #tpu.dot_dimension_numbers<[1], [1], [0], [0], [0, 0, 1, 0], [], []>, transpose_lhs_hint = false} : vector<256x256xbf16>, vector<512x256xbf16>, vector<256x512xf32> -> vector<256x512xf32>
      %add3A_102 = vector.broadcast %get3A_37 : vector<256x1xf32> to vector<256x512xf32>
      %add3A_103 = vector.broadcast %get3A_99 : vector<1x512xf32> to vector<256x512xf32>
      %add3A_104 = arith.addf %add3A_102, %add3A_103 : vector<256x512xf32>
      %mul3A_105 = arith.constant -2.000000e+00 : f32
      %mul3A_106 = vector.broadcast %mul3A_105 : f32 to vector<256x512xf32>
      %mul3A_107 = arith.mulf %dot_general3A_101, %mul3A_106 : vector<256x512xf32>
      %add3A_108 = arith.addf %add3A_104, %mul3A_107 : vector<256x512xf32>
      %max3A_109 = arith.constant 0.000000e+00 : f32
      %max3A_110 = vector.broadcast %max3A_109 : f32 to vector<256x512xf32>
      %max3A_111 = arith.maximumf %add3A_108, %max3A_110 : vector<256x512xf32>
      %bitcast_convert_type3A_112 = tpu.bitcast %max3A_111 : vector<256x512xf32> -> vector<256x512xi32>
      %not3A_113 = arith.constant 8191 : i32
      %not3A_114 = arith.constant -1 : i32
      %not3A_115 = arith.xori %not3A_113, %not3A_114 : i32
      %and3A_116 = vector.broadcast %not3A_115 : i32 to vector<256x512xi32>
      %and3A_117 = arith.andi %bitcast_convert_type3A_112, %and3A_116 : vector<256x512xi32>
      %mul3A_118 = arith.constant 512 : i32
      %mul3A_119 = arith.muli %scan3A_89, %mul3A_118 : i32
      %add3A_120 = vector.broadcast %mul3A_119 : i32 to vector<256x512xi32>
      %add3A_121 = arith.addi %iota3A, %add3A_120 : vector<256x512xi32>
      %or3A_122 = arith.ori %and3A_117, %add3A_121 : vector<256x512xi32>
      %reduce_min3A_123 = arith.constant dense<2147483647> : vector<256xi32>
      %reduce_min3A_124 = vector.multi_reduction <minsi>, %or3A_122, %reduce_min3A_123 [1] : vector<256x512xi32> to vector<256xi32>
      %broadcast_in_dim3A_125 = vector.shape_cast %reduce_min3A_124 : vector<256xi32> to vector<256x1xi32>
      %min3A_126 = arith.minsi %min3A, %broadcast_in_dim3A_125 : vector<256x1xi32>
      %scan3A_127 = arith.constant 2 : i32
      %mul3A_128 = arith.constant 512 : i32
      %mul3A_129 = arith.muli %scan3A_127, %mul3A_128 : i32
      %get3A_130 = arith.index_cast %mul3A_129 : i32 to index
      %get3A_131 = arith.constant 0 : index
      %get3A_132 = vector.load %arg5[%get3A_130, %get3A_131] : memref<8192x256xbf16, #tpu.memory_space<vmem>>, vector<512x256xbf16>
      %mul3A_133 = arith.constant 512 : i32
      %mul3A_134 = arith.muli %scan3A_127, %mul3A_133 : i32
      %get3A_135 = arith.constant 0 : index
      %get3A_136 = arith.index_cast %mul3A_134 : i32 to index
      %get3A_137 = vector.load %arg4[%get3A_135, %get3A_136] : memref<1x8192xf32, #tpu.memory_space<vmem>>, vector<1x512xf32>
      %dot_general3A_138 = arith.constant dense<0.000000e+00> : vector<256x512xf32>
      %dot_general3A_139 = tpu.matmul %get3A_34, %get3A_132, %dot_general3A_138 {dimension_numbers = #tpu.dot_dimension_numbers<[1], [1], [0], [0], [0, 0, 1, 0], [], []>, transpose_lhs_hint = false} : vector<256x256xbf16>, vector<512x256xbf16>, vector<256x512xf32> -> vector<256x512xf32>
      %add3A_140 = vector.broadcast %get3A_37 : vector<256x1xf32> to vector<256x512xf32>
      %add3A_141 = vector.broadcast %get3A_137 : vector<1x512xf32> to vector<256x512xf32>
      %add3A_142 = arith.addf %add3A_140, %add3A_141 : vector<256x512xf32>
      %mul3A_143 = arith.constant -2.000000e+00 : f32
      %mul3A_144 = vector.broadcast %mul3A_143 : f32 to vector<256x512xf32>
      %mul3A_145 = arith.mulf %dot_general3A_139, %mul3A_144 : vector<256x512xf32>
      %add3A_146 = arith.addf %add3A_142, %mul3A_145 : vector<256x512xf32>
      %max3A_147 = arith.constant 0.000000e+00 : f32
      %max3A_148 = vector.broadcast %max3A_147 : f32 to vector<256x512xf32>
      %max3A_149 = arith.maximumf %add3A_146, %max3A_148 : vector<256x512xf32>
      %bitcast_convert_type3A_150 = tpu.bitcast %max3A_149 : vector<256x512xf32> -> vector<256x512xi32>
      %not3A_151 = arith.constant 8191 : i32
      %not3A_152 = arith.constant -1 : i32
      %not3A_153 = arith.xori %not3A_151, %not3A_152 : i32
      %and3A_154 = vector.broadcast %not3A_153 : i32 to vector<256x512xi32>
      %and3A_155 = arith.andi %bitcast_convert_type3A_150, %and3A_154 : vector<256x512xi32>
      %mul3A_156 = arith.constant 512 : i32
      %mul3A_157 = arith.muli %scan3A_127, %mul3A_156 : i32
      %add3A_158 = vector.broadcast %mul3A_157 : i32 to vector<256x512xi32>
      %add3A_159 = arith.addi %iota3A, %add3A_158 : vector<256x512xi32>
      %or3A_160 = arith.ori %and3A_155, %add3A_159 : vector<256x512xi32>
      %reduce_min3A_161 = arith.constant dense<2147483647> : vector<256xi32>
      %reduce_min3A_162 = vector.multi_reduction <minsi>, %or3A_160, %reduce_min3A_161 [1] : vector<256x512xi32> to vector<256xi32>
      %broadcast_in_dim3A_163 = vector.shape_cast %reduce_min3A_162 : vector<256xi32> to vector<256x1xi32>
      %min3A_164 = arith.minsi %min3A_126, %broadcast_in_dim3A_163 : vector<256x1xi32>
      %scan3A_165 = arith.constant 3 : i32
      %mul3A_166 = arith.constant 512 : i32
      %mul3A_167 = arith.muli %scan3A_165, %mul3A_166 : i32
      %get3A_168 = arith.index_cast %mul3A_167 : i32 to index
      %get3A_169 = arith.constant 0 : index
      %get3A_170 = vector.load %arg5[%get3A_168, %get3A_169] : memref<8192x256xbf16, #tpu.memory_space<vmem>>, vector<512x256xbf16>
      %mul3A_171 = arith.constant 512 : i32
      %mul3A_172 = arith.muli %scan3A_165, %mul3A_171 : i32
      %get3A_173 = arith.constant 0 : index
      %get3A_174 = arith.index_cast %mul3A_172 : i32 to index
      %get3A_175 = vector.load %arg4[%get3A_173, %get3A_174] : memref<1x8192xf32, #tpu.memory_space<vmem>>, vector<1x512xf32>
      %dot_general3A_176 = arith.constant dense<0.000000e+00> : vector<256x512xf32>
      %dot_general3A_177 = tpu.matmul %get3A_34, %get3A_170, %dot_general3A_176 {dimension_numbers = #tpu.dot_dimension_numbers<[1], [1], [0], [0], [0, 0, 1, 0], [], []>, transpose_lhs_hint = false} : vector<256x256xbf16>, vector<512x256xbf16>, vector<256x512xf32> -> vector<256x512xf32>
      %add3A_178 = vector.broadcast %get3A_37 : vector<256x1xf32> to vector<256x512xf32>
      %add3A_179 = vector.broadcast %get3A_175 : vector<1x512xf32> to vector<256x512xf32>
      %add3A_180 = arith.addf %add3A_178, %add3A_179 : vector<256x512xf32>
      %mul3A_181 = arith.constant -2.000000e+00 : f32
      %mul3A_182 = vector.broadcast %mul3A_181 : f32 to vector<256x512xf32>
      %mul3A_183 = arith.mulf %dot_general3A_177, %mul3A_182 : vector<256x512xf32>
      %add3A_184 = arith.addf %add3A_180, %mul3A_183 : vector<256x512xf32>
      %max3A_185 = arith.constant 0.000000e+00 : f32
      %max3A_186 = vector.broadcast %max3A_185 : f32 to vector<256x512xf32>
      %max3A_187 = arith.maximumf %add3A_184, %max3A_186 : vector<256x512xf32>
      %bitcast_convert_type3A_188 = tpu.bitcast %max3A_187 : vector<256x512xf32> -> vector<256x512xi32>
      %not3A_189 = arith.constant 8191 : i32
      %not3A_190 = arith.constant -1 : i32
      %not3A_191 = arith.xori %not3A_189, %not3A_190 : i32
      %and3A_192 = vector.broadcast %not3A_191 : i32 to vector<256x512xi32>
      %and3A_193 = arith.andi %bitcast_convert_type3A_188, %and3A_192 : vector<256x512xi32>
      %mul3A_194 = arith.constant 512 : i32
      %mul3A_195 = arith.muli %scan3A_165, %mul3A_194 : i32
      %add3A_196 = vector.broadcast %mul3A_195 : i32 to vector<256x512xi32>
      %add3A_197 = arith.addi %iota3A, %add3A_196 : vector<256x512xi32>
      %or3A_198 = arith.ori %and3A_193, %add3A_197 : vector<256x512xi32>
      %reduce_min3A_199 = arith.constant dense<2147483647> : vector<256xi32>
      %reduce_min3A_200 = vector.multi_reduction <minsi>, %or3A_198, %reduce_min3A_199 [1] : vector<256x512xi32> to vector<256xi32>
      %broadcast_in_dim3A_201 = vector.shape_cast %reduce_min3A_200 : vector<256xi32> to vector<256x1xi32>
      %min3A_202 = arith.minsi %min3A_164, %broadcast_in_dim3A_201 : vector<256x1xi32>
      %scan3A_203 = arith.constant 4 : i32
      %mul3A_204 = arith.constant 512 : i32
      %mul3A_205 = arith.muli %scan3A_203, %mul3A_204 : i32
      %get3A_206 = arith.index_cast %mul3A_205 : i32 to index
      %get3A_207 = arith.constant 0 : index
      %get3A_208 = vector.load %arg5[%get3A_206, %get3A_207] : memref<8192x256xbf16, #tpu.memory_space<vmem>>, vector<512x256xbf16>
      %mul3A_209 = arith.constant 512 : i32
      %mul3A_210 = arith.muli %scan3A_203, %mul3A_209 : i32
      %get3A_211 = arith.constant 0 : index
      %get3A_212 = arith.index_cast %mul3A_210 : i32 to index
      %get3A_213 = vector.load %arg4[%get3A_211, %get3A_212] : memref<1x8192xf32, #tpu.memory_space<vmem>>, vector<1x512xf32>
      %dot_general3A_214 = arith.constant dense<0.000000e+00> : vector<256x512xf32>
      %dot_general3A_215 = tpu.matmul %get3A_34, %get3A_208, %dot_general3A_214 {dimension_numbers = #tpu.dot_dimension_numbers<[1], [1], [0], [0], [0, 0, 1, 0], [], []>, transpose_lhs_hint = false} : vector<256x256xbf16>, vector<512x256xbf16>, vector<256x512xf32> -> vector<256x512xf32>
      %add3A_216 = vector.broadcast %get3A_37 : vector<256x1xf32> to vector<256x512xf32>
      %add3A_217 = vector.broadcast %get3A_213 : vector<1x512xf32> to vector<256x512xf32>
      %add3A_218 = arith.addf %add3A_216, %add3A_217 : vector<256x512xf32>
      %mul3A_219 = arith.constant -2.000000e+00 : f32
      %mul3A_220 = vector.broadcast %mul3A_219 : f32 to vector<256x512xf32>
      %mul3A_221 = arith.mulf %dot_general3A_215, %mul3A_220 : vector<256x512xf32>
      %add3A_222 = arith.addf %add3A_218, %mul3A_221 : vector<256x512xf32>
      %max3A_223 = arith.constant 0.000000e+00 : f32
      %max3A_224 = vector.broadcast %max3A_223 : f32 to vector<256x512xf32>
      %max3A_225 = arith.maximumf %add3A_222, %max3A_224 : vector<256x512xf32>
      %bitcast_convert_type3A_226 = tpu.bitcast %max3A_225 : vector<256x512xf32> -> vector<256x512xi32>
      %not3A_227 = arith.constant 8191 : i32
      %not3A_228 = arith.constant -1 : i32
      %not3A_229 = arith.xori %not3A_227, %not3A_228 : i32
      %and3A_230 = vector.broadcast %not3A_229 : i32 to vector<256x512xi32>
      %and3A_231 = arith.andi %bitcast_convert_type3A_226, %and3A_230 : vector<256x512xi32>
      %mul3A_232 = arith.constant 512 : i32
      %mul3A_233 = arith.muli %scan3A_203, %mul3A_232 : i32
      %add3A_234 = vector.broadcast %mul3A_233 : i32 to vector<256x512xi32>
      %add3A_235 = arith.addi %iota3A, %add3A_234 : vector<256x512xi32>
      %or3A_236 = arith.ori %and3A_231, %add3A_235 : vector<256x512xi32>
      %reduce_min3A_237 = arith.constant dense<2147483647> : vector<256xi32>
      %reduce_min3A_238 = vector.multi_reduction <minsi>, %or3A_236, %reduce_min3A_237 [1] : vector<256x512xi32> to vector<256xi32>
      %broadcast_in_dim3A_239 = vector.shape_cast %reduce_min3A_238 : vector<256xi32> to vector<256x1xi32>
      %min3A_240 = arith.minsi %min3A_202, %broadcast_in_dim3A_239 : vector<256x1xi32>
      %scan3A_241 = arith.constant 5 : i32
      %mul3A_242 = arith.constant 512 : i32
      %mul3A_243 = arith.muli %scan3A_241, %mul3A_242 : i32
      %get3A_244 = arith.index_cast %mul3A_243 : i32 to index
      %get3A_245 = arith.constant 0 : index
      %get3A_246 = vector.load %arg5[%get3A_244, %get3A_245] : memref<8192x256xbf16, #tpu.memory_space<vmem>>, vector<512x256xbf16>
      %mul3A_247 = arith.constant 512 : i32
      %mul3A_248 = arith.muli %scan3A_241, %mul3A_247 : i32
      %get3A_249 = arith.constant 0 : index
      %get3A_250 = arith.index_cast %mul3A_248 : i32 to index
      %get3A_251 = vector.load %arg4[%get3A_249, %get3A_250] : memref<1x8192xf32, #tpu.memory_space<vmem>>, vector<1x512xf32>
      %dot_general3A_252 = arith.constant dense<0.000000e+00> : vector<256x512xf32>
      %dot_general3A_253 = tpu.matmul %get3A_34, %get3A_246, %dot_general3A_252 {dimension_numbers = #tpu.dot_dimension_numbers<[1], [1], [0], [0], [0, 0, 1, 0], [], []>, transpose_lhs_hint = false} : vector<256x256xbf16>, vector<512x256xbf16>, vector<256x512xf32> -> vector<256x512xf32>
      %add3A_254 = vector.broadcast %get3A_37 : vector<256x1xf32> to vector<256x512xf32>
      %add3A_255 = vector.broadcast %get3A_251 : vector<1x512xf32> to vector<256x512xf32>
      %add3A_256 = arith.addf %add3A_254, %add3A_255 : vector<256x512xf32>
      %mul3A_257 = arith.constant -2.000000e+00 : f32
      %mul3A_258 = vector.broadcast %mul3A_257 : f32 to vector<256x512xf32>
      %mul3A_259 = arith.mulf %dot_general3A_253, %mul3A_258 : vector<256x512xf32>
      %add3A_260 = arith.addf %add3A_256, %mul3A_259 : vector<256x512xf32>
      %max3A_261 = arith.constant 0.000000e+00 : f32
      %max3A_262 = vector.broadcast %max3A_261 : f32 to vector<256x512xf32>
      %max3A_263 = arith.maximumf %add3A_260, %max3A_262 : vector<256x512xf32>
      %bitcast_convert_type3A_264 = tpu.bitcast %max3A_263 : vector<256x512xf32> -> vector<256x512xi32>
      %not3A_265 = arith.constant 8191 : i32
      %not3A_266 = arith.constant -1 : i32
      %not3A_267 = arith.xori %not3A_265, %not3A_266 : i32
      %and3A_268 = vector.broadcast %not3A_267 : i32 to vector<256x512xi32>
      %and3A_269 = arith.andi %bitcast_convert_type3A_264, %and3A_268 : vector<256x512xi32>
      %mul3A_270 = arith.constant 512 : i32
      %mul3A_271 = arith.muli %scan3A_241, %mul3A_270 : i32
      %add3A_272 = vector.broadcast %mul3A_271 : i32 to vector<256x512xi32>
      %add3A_273 = arith.addi %iota3A, %add3A_272 : vector<256x512xi32>
      %or3A_274 = arith.ori %and3A_269, %add3A_273 : vector<256x512xi32>
      %reduce_min3A_275 = arith.constant dense<2147483647> : vector<256xi32>
      %reduce_min3A_276 = vector.multi_reduction <minsi>, %or3A_274, %reduce_min3A_275 [1] : vector<256x512xi32> to vector<256xi32>
      %broadcast_in_dim3A_277 = vector.shape_cast %reduce_min3A_276 : vector<256xi32> to vector<256x1xi32>
      %min3A_278 = arith.minsi %min3A_240, %broadcast_in_dim3A_277 : vector<256x1xi32>
      %scan3A_279 = arith.constant 6 : i32
      %mul3A_280 = arith.constant 512 : i32
      %mul3A_281 = arith.muli %scan3A_279, %mul3A_280 : i32
      %get3A_282 = arith.index_cast %mul3A_281 : i32 to index
      %get3A_283 = arith.constant 0 : index
      %get3A_284 = vector.load %arg5[%get3A_282, %get3A_283] : memref<8192x256xbf16, #tpu.memory_space<vmem>>, vector<512x256xbf16>
      %mul3A_285 = arith.constant 512 : i32
      %mul3A_286 = arith.muli %scan3A_279, %mul3A_285 : i32
      %get3A_287 = arith.constant 0 : index
      %get3A_288 = arith.index_cast %mul3A_286 : i32 to index
      %get3A_289 = vector.load %arg4[%get3A_287, %get3A_288] : memref<1x8192xf32, #tpu.memory_space<vmem>>, vector<1x512xf32>
      %dot_general3A_290 = arith.constant dense<0.000000e+00> : vector<256x512xf32>
      %dot_general3A_291 = tpu.matmul %get3A_34, %get3A_284, %dot_general3A_290 {dimension_numbers = #tpu.dot_dimension_numbers<[1], [1], [0], [0], [0, 0, 1, 0], [], []>, transpose_lhs_hint = false} : vector<256x256xbf16>, vector<512x256xbf16>, vector<256x512xf32> -> vector<256x512xf32>
      %add3A_292 = vector.broadcast %get3A_37 : vector<256x1xf32> to vector<256x512xf32>
      %add3A_293 = vector.broadcast %get3A_289 : vector<1x512xf32> to vector<256x512xf32>
      %add3A_294 = arith.addf %add3A_292, %add3A_293 : vector<256x512xf32>
      %mul3A_295 = arith.constant -2.000000e+00 : f32
      %mul3A_296 = vector.broadcast %mul3A_295 : f32 to vector<256x512xf32>
      %mul3A_297 = arith.mulf %dot_general3A_291, %mul3A_296 : vector<256x512xf32>
      %add3A_298 = arith.addf %add3A_294, %mul3A_297 : vector<256x512xf32>
      %max3A_299 = arith.constant 0.000000e+00 : f32
      %max3A_300 = vector.broadcast %max3A_299 : f32 to vector<256x512xf32>
      %max3A_301 = arith.maximumf %add3A_298, %max3A_300 : vector<256x512xf32>
      %bitcast_convert_type3A_302 = tpu.bitcast %max3A_301 : vector<256x512xf32> -> vector<256x512xi32>
      %not3A_303 = arith.constant 8191 : i32
      %not3A_304 = arith.constant -1 : i32
      %not3A_305 = arith.xori %not3A_303, %not3A_304 : i32
      %and3A_306 = vector.broadcast %not3A_305 : i32 to vector<256x512xi32>
      %and3A_307 = arith.andi %bitcast_convert_type3A_302, %and3A_306 : vector<256x512xi32>
      %mul3A_308 = arith.constant 512 : i32
      %mul3A_309 = arith.muli %scan3A_279, %mul3A_308 : i32
      %add3A_310 = vector.broadcast %mul3A_309 : i32 to vector<256x512xi32>
      %add3A_311 = arith.addi %iota3A, %add3A_310 : vector<256x512xi32>
      %or3A_312 = arith.ori %and3A_307, %add3A_311 : vector<256x512xi32>
      %reduce_min3A_313 = arith.constant dense<2147483647> : vector<256xi32>
      %reduce_min3A_314 = vector.multi_reduction <minsi>, %or3A_312, %reduce_min3A_313 [1] : vector<256x512xi32> to vector<256xi32>
      %broadcast_in_dim3A_315 = vector.shape_cast %reduce_min3A_314 : vector<256xi32> to vector<256x1xi32>
      %min3A_316 = arith.minsi %min3A_278, %broadcast_in_dim3A_315 : vector<256x1xi32>
      %scan3A_317 = arith.constant 7 : i32
      %mul3A_318 = arith.constant 512 : i32
      %mul3A_319 = arith.muli %scan3A_317, %mul3A_318 : i32
      %get3A_320 = arith.index_cast %mul3A_319 : i32 to index
      %get3A_321 = arith.constant 0 : index
      %get3A_322 = vector.load %arg5[%get3A_320, %get3A_321] : memref<8192x256xbf16, #tpu.memory_space<vmem>>, vector<512x256xbf16>
      %mul3A_323 = arith.constant 512 : i32
      %mul3A_324 = arith.muli %scan3A_317, %mul3A_323 : i32
      %get3A_325 = arith.constant 0 : index
      %get3A_326 = arith.index_cast %mul3A_324 : i32 to index
      %get3A_327 = vector.load %arg4[%get3A_325, %get3A_326] : memref<1x8192xf32, #tpu.memory_space<vmem>>, vector<1x512xf32>
      %dot_general3A_328 = arith.constant dense<0.000000e+00> : vector<256x512xf32>
      %dot_general3A_329 = tpu.matmul %get3A_34, %get3A_322, %dot_general3A_328 {dimension_numbers = #tpu.dot_dimension_numbers<[1], [1], [0], [0], [0, 0, 1, 0], [], []>, transpose_lhs_hint = false} : vector<256x256xbf16>, vector<512x256xbf16>, vector<256x512xf32> -> vector<256x512xf32>
      %add3A_330 = vector.broadcast %get3A_37 : vector<256x1xf32> to vector<256x512xf32>
      %add3A_331 = vector.broadcast %get3A_327 : vector<1x512xf32> to vector<256x512xf32>
      %add3A_332 = arith.addf %add3A_330, %add3A_331 : vector<256x512xf32>
      %mul3A_333 = arith.constant -2.000000e+00 : f32
      %mul3A_334 = vector.broadcast %mul3A_333 : f32 to vector<256x512xf32>
      %mul3A_335 = arith.mulf %dot_general3A_329, %mul3A_334 : vector<256x512xf32>
      %add3A_336 = arith.addf %add3A_332, %mul3A_335 : vector<256x512xf32>
      %max3A_337 = arith.constant 0.000000e+00 : f32
      %max3A_338 = vector.broadcast %max3A_337 : f32 to vector<256x512xf32>
      %max3A_339 = arith.maximumf %add3A_336, %max3A_338 : vector<256x512xf32>
      %bitcast_convert_type3A_340 = tpu.bitcast %max3A_339 : vector<256x512xf32> -> vector<256x512xi32>
      %not3A_341 = arith.constant 8191 : i32
      %not3A_342 = arith.constant -1 : i32
      %not3A_343 = arith.xori %not3A_341, %not3A_342 : i32
      %and3A_344 = vector.broadcast %not3A_343 : i32 to vector<256x512xi32>
      %and3A_345 = arith.andi %bitcast_convert_type3A_340, %and3A_344 : vector<256x512xi32>
      %mul3A_346 = arith.constant 512 : i32
      %mul3A_347 = arith.muli %scan3A_317, %mul3A_346 : i32
      %add3A_348 = vector.broadcast %mul3A_347 : i32 to vector<256x512xi32>
      %add3A_349 = arith.addi %iota3A, %add3A_348 : vector<256x512xi32>
      %or3A_350 = arith.ori %and3A_345, %add3A_349 : vector<256x512xi32>
      %reduce_min3A_351 = arith.constant dense<2147483647> : vector<256xi32>
      %reduce_min3A_352 = vector.multi_reduction <minsi>, %or3A_350, %reduce_min3A_351 [1] : vector<256x512xi32> to vector<256xi32>
      %broadcast_in_dim3A_353 = vector.shape_cast %reduce_min3A_352 : vector<256xi32> to vector<256x1xi32>
      %min3A_354 = arith.minsi %min3A_316, %broadcast_in_dim3A_353 : vector<256x1xi32>
      %scan3A_355 = arith.constant 8 : i32
      %mul3A_356 = arith.constant 512 : i32
      %mul3A_357 = arith.muli %scan3A_355, %mul3A_356 : i32
      %get3A_358 = arith.index_cast %mul3A_357 : i32 to index
      %get3A_359 = arith.constant 0 : index
      %get3A_360 = vector.load %arg5[%get3A_358, %get3A_359] : memref<8192x256xbf16, #tpu.memory_space<vmem>>, vector<512x256xbf16>
      %mul3A_361 = arith.constant 512 : i32
      %mul3A_362 = arith.muli %scan3A_355, %mul3A_361 : i32
      %get3A_363 = arith.constant 0 : index
      %get3A_364 = arith.index_cast %mul3A_362 : i32 to index
      %get3A_365 = vector.load %arg4[%get3A_363, %get3A_364] : memref<1x8192xf32, #tpu.memory_space<vmem>>, vector<1x512xf32>
      %dot_general3A_366 = arith.constant dense<0.000000e+00> : vector<256x512xf32>
      %dot_general3A_367 = tpu.matmul %get3A_34, %get3A_360, %dot_general3A_366 {dimension_numbers = #tpu.dot_dimension_numbers<[1], [1], [0], [0], [0, 0, 1, 0], [], []>, transpose_lhs_hint = false} : vector<256x256xbf16>, vector<512x256xbf16>, vector<256x512xf32> -> vector<256x512xf32>
      %add3A_368 = vector.broadcast %get3A_37 : vector<256x1xf32> to vector<256x512xf32>
      %add3A_369 = vector.broadcast %get3A_365 : vector<1x512xf32> to vector<256x512xf32>
      %add3A_370 = arith.addf %add3A_368, %add3A_369 : vector<256x512xf32>
      %mul3A_371 = arith.constant -2.000000e+00 : f32
      %mul3A_372 = vector.broadcast %mul3A_371 : f32 to vector<256x512xf32>
      %mul3A_373 = arith.mulf %dot_general3A_367, %mul3A_372 : vector<256x512xf32>
      %add3A_374 = arith.addf %add3A_370, %mul3A_373 : vector<256x512xf32>
      %max3A_375 = arith.constant 0.000000e+00 : f32
      %max3A_376 = vector.broadcast %max3A_375 : f32 to vector<256x512xf32>
      %max3A_377 = arith.maximumf %add3A_374, %max3A_376 : vector<256x512xf32>
      %bitcast_convert_type3A_378 = tpu.bitcast %max3A_377 : vector<256x512xf32> -> vector<256x512xi32>
      %not3A_379 = arith.constant 8191 : i32
      %not3A_380 = arith.constant -1 : i32
      %not3A_381 = arith.xori %not3A_379, %not3A_380 : i32
      %and3A_382 = vector.broadcast %not3A_381 : i32 to vector<256x512xi32>
      %and3A_383 = arith.andi %bitcast_convert_type3A_378, %and3A_382 : vector<256x512xi32>
      %mul3A_384 = arith.constant 512 : i32
      %mul3A_385 = arith.muli %scan3A_355, %mul3A_384 : i32
      %add3A_386 = vector.broadcast %mul3A_385 : i32 to vector<256x512xi32>
      %add3A_387 = arith.addi %iota3A, %add3A_386 : vector<256x512xi32>
      %or3A_388 = arith.ori %and3A_383, %add3A_387 : vector<256x512xi32>
      %reduce_min3A_389 = arith.constant dense<2147483647> : vector<256xi32>
      %reduce_min3A_390 = vector.multi_reduction <minsi>, %or3A_388, %reduce_min3A_389 [1] : vector<256x512xi32> to vector<256xi32>
      %broadcast_in_dim3A_391 = vector.shape_cast %reduce_min3A_390 : vector<256xi32> to vector<256x1xi32>
      %min3A_392 = arith.minsi %min3A_354, %broadcast_in_dim3A_391 : vector<256x1xi32>
      %scan3A_393 = arith.constant 9 : i32
      %mul3A_394 = arith.constant 512 : i32
      %mul3A_395 = arith.muli %scan3A_393, %mul3A_394 : i32
      %get3A_396 = arith.index_cast %mul3A_395 : i32 to index
      %get3A_397 = arith.constant 0 : index
      %get3A_398 = vector.load %arg5[%get3A_396, %get3A_397] : memref<8192x256xbf16, #tpu.memory_space<vmem>>, vector<512x256xbf16>
      %mul3A_399 = arith.constant 512 : i32
      %mul3A_400 = arith.muli %scan3A_393, %mul3A_399 : i32
      %get3A_401 = arith.constant 0 : index
      %get3A_402 = arith.index_cast %mul3A_400 : i32 to index
      %get3A_403 = vector.load %arg4[%get3A_401, %get3A_402] : memref<1x8192xf32, #tpu.memory_space<vmem>>, vector<1x512xf32>
      %dot_general3A_404 = arith.constant dense<0.000000e+00> : vector<256x512xf32>
      %dot_general3A_405 = tpu.matmul %get3A_34, %get3A_398, %dot_general3A_404 {dimension_numbers = #tpu.dot_dimension_numbers<[1], [1], [0], [0], [0, 0, 1, 0], [], []>, transpose_lhs_hint = false} : vector<256x256xbf16>, vector<512x256xbf16>, vector<256x512xf32> -> vector<256x512xf32>
      %add3A_406 = vector.broadcast %get3A_37 : vector<256x1xf32> to vector<256x512xf32>
      %add3A_407 = vector.broadcast %get3A_403 : vector<1x512xf32> to vector<256x512xf32>
      %add3A_408 = arith.addf %add3A_406, %add3A_407 : vector<256x512xf32>
      %mul3A_409 = arith.constant -2.000000e+00 : f32
      %mul3A_410 = vector.broadcast %mul3A_409 : f32 to vector<256x512xf32>
      %mul3A_411 = arith.mulf %dot_general3A_405, %mul3A_410 : vector<256x512xf32>
      %add3A_412 = arith.addf %add3A_408, %mul3A_411 : vector<256x512xf32>
      %max3A_413 = arith.constant 0.000000e+00 : f32
      %max3A_414 = vector.broadcast %max3A_413 : f32 to vector<256x512xf32>
      %max3A_415 = arith.maximumf %add3A_412, %max3A_414 : vector<256x512xf32>
      %bitcast_convert_type3A_416 = tpu.bitcast %max3A_415 : vector<256x512xf32> -> vector<256x512xi32>
      %not3A_417 = arith.constant 8191 : i32
      %not3A_418 = arith.constant -1 : i32
      %not3A_419 = arith.xori %not3A_417, %not3A_418 : i32
      %and3A_420 = vector.broadcast %not3A_419 : i32 to vector<256x512xi32>
      %and3A_421 = arith.andi %bitcast_convert_type3A_416, %and3A_420 : vector<256x512xi32>
      %mul3A_422 = arith.constant 512 : i32
      %mul3A_423 = arith.muli %scan3A_393, %mul3A_422 : i32
      %add3A_424 = vector.broadcast %mul3A_423 : i32 to vector<256x512xi32>
      %add3A_425 = arith.addi %iota3A, %add3A_424 : vector<256x512xi32>
      %or3A_426 = arith.ori %and3A_421, %add3A_425 : vector<256x512xi32>
      %reduce_min3A_427 = arith.constant dense<2147483647> : vector<256xi32>
      %reduce_min3A_428 = vector.multi_reduction <minsi>, %or3A_426, %reduce_min3A_427 [1] : vector<256x512xi32> to vector<256xi32>
      %broadcast_in_dim3A_429 = vector.shape_cast %reduce_min3A_428 : vector<256xi32> to vector<256x1xi32>
      %min3A_430 = arith.minsi %min3A_392, %broadcast_in_dim3A_429 : vector<256x1xi32>
      %scan3A_431 = arith.constant 10 : i32
      %mul3A_432 = arith.constant 512 : i32
      %mul3A_433 = arith.muli %scan3A_431, %mul3A_432 : i32
      %get3A_434 = arith.index_cast %mul3A_433 : i32 to index
      %get3A_435 = arith.constant 0 : index
      %get3A_436 = vector.load %arg5[%get3A_434, %get3A_435] : memref<8192x256xbf16, #tpu.memory_space<vmem>>, vector<512x256xbf16>
      %mul3A_437 = arith.constant 512 : i32
      %mul3A_438 = arith.muli %scan3A_431, %mul3A_437 : i32
      %get3A_439 = arith.constant 0 : index
      %get3A_440 = arith.index_cast %mul3A_438 : i32 to index
      %get3A_441 = vector.load %arg4[%get3A_439, %get3A_440] : memref<1x8192xf32, #tpu.memory_space<vmem>>, vector<1x512xf32>
      %dot_general3A_442 = arith.constant dense<0.000000e+00> : vector<256x512xf32>
      %dot_general3A_443 = tpu.matmul %get3A_34, %get3A_436, %dot_general3A_442 {dimension_numbers = #tpu.dot_dimension_numbers<[1], [1], [0], [0], [0, 0, 1, 0], [], []>, transpose_lhs_hint = false} : vector<256x256xbf16>, vector<512x256xbf16>, vector<256x512xf32> -> vector<256x512xf32>
      %add3A_444 = vector.broadcast %get3A_37 : vector<256x1xf32> to vector<256x512xf32>
      %add3A_445 = vector.broadcast %get3A_441 : vector<1x512xf32> to vector<256x512xf32>
      %add3A_446 = arith.addf %add3A_444, %add3A_445 : vector<256x512xf32>
      %mul3A_447 = arith.constant -2.000000e+00 : f32
      %mul3A_448 = vector.broadcast %mul3A_447 : f32 to vector<256x512xf32>
      %mul3A_449 = arith.mulf %dot_general3A_443, %mul3A_448 : vector<256x512xf32>
      %add3A_450 = arith.addf %add3A_446, %mul3A_449 : vector<256x512xf32>
      %max3A_451 = arith.constant 0.000000e+00 : f32
      %max3A_452 = vector.broadcast %max3A_451 : f32 to vector<256x512xf32>
      %max3A_453 = arith.maximumf %add3A_450, %max3A_452 : vector<256x512xf32>
      %bitcast_convert_type3A_454 = tpu.bitcast %max3A_453 : vector<256x512xf32> -> vector<256x512xi32>
      %not3A_455 = arith.constant 8191 : i32
      %not3A_456 = arith.constant -1 : i32
      %not3A_457 = arith.xori %not3A_455, %not3A_456 : i32
      %and3A_458 = vector.broadcast %not3A_457 : i32 to vector<256x512xi32>
      %and3A_459 = arith.andi %bitcast_convert_type3A_454, %and3A_458 : vector<256x512xi32>
      %mul3A_460 = arith.constant 512 : i32
      %mul3A_461 = arith.muli %scan3A_431, %mul3A_460 : i32
      %add3A_462 = vector.broadcast %mul3A_461 : i32 to vector<256x512xi32>
      %add3A_463 = arith.addi %iota3A, %add3A_462 : vector<256x512xi32>
      %or3A_464 = arith.ori %and3A_459, %add3A_463 : vector<256x512xi32>
      %reduce_min3A_465 = arith.constant dense<2147483647> : vector<256xi32>
      %reduce_min3A_466 = vector.multi_reduction <minsi>, %or3A_464, %reduce_min3A_465 [1] : vector<256x512xi32> to vector<256xi32>
      %broadcast_in_dim3A_467 = vector.shape_cast %reduce_min3A_466 : vector<256xi32> to vector<256x1xi32>
      %min3A_468 = arith.minsi %min3A_430, %broadcast_in_dim3A_467 : vector<256x1xi32>
      %scan3A_469 = arith.constant 11 : i32
      %mul3A_470 = arith.constant 512 : i32
      %mul3A_471 = arith.muli %scan3A_469, %mul3A_470 : i32
      %get3A_472 = arith.index_cast %mul3A_471 : i32 to index
      %get3A_473 = arith.constant 0 : index
      %get3A_474 = vector.load %arg5[%get3A_472, %get3A_473] : memref<8192x256xbf16, #tpu.memory_space<vmem>>, vector<512x256xbf16>
      %mul3A_475 = arith.constant 512 : i32
      %mul3A_476 = arith.muli %scan3A_469, %mul3A_475 : i32
      %get3A_477 = arith.constant 0 : index
      %get3A_478 = arith.index_cast %mul3A_476 : i32 to index
      %get3A_479 = vector.load %arg4[%get3A_477, %get3A_478] : memref<1x8192xf32, #tpu.memory_space<vmem>>, vector<1x512xf32>
      %dot_general3A_480 = arith.constant dense<0.000000e+00> : vector<256x512xf32>
      %dot_general3A_481 = tpu.matmul %get3A_34, %get3A_474, %dot_general3A_480 {dimension_numbers = #tpu.dot_dimension_numbers<[1], [1], [0], [0], [0, 0, 1, 0], [], []>, transpose_lhs_hint = false} : vector<256x256xbf16>, vector<512x256xbf16>, vector<256x512xf32> -> vector<256x512xf32>
      %add3A_482 = vector.broadcast %get3A_37 : vector<256x1xf32> to vector<256x512xf32>
      %add3A_483 = vector.broadcast %get3A_479 : vector<1x512xf32> to vector<256x512xf32>
      %add3A_484 = arith.addf %add3A_482, %add3A_483 : vector<256x512xf32>
      %mul3A_485 = arith.constant -2.000000e+00 : f32
      %mul3A_486 = vector.broadcast %mul3A_485 : f32 to vector<256x512xf32>
      %mul3A_487 = arith.mulf %dot_general3A_481, %mul3A_486 : vector<256x512xf32>
      %add3A_488 = arith.addf %add3A_484, %mul3A_487 : vector<256x512xf32>
      %max3A_489 = arith.constant 0.000000e+00 : f32
      %max3A_490 = vector.broadcast %max3A_489 : f32 to vector<256x512xf32>
      %max3A_491 = arith.maximumf %add3A_488, %max3A_490 : vector<256x512xf32>
      %bitcast_convert_type3A_492 = tpu.bitcast %max3A_491 : vector<256x512xf32> -> vector<256x512xi32>
      %not3A_493 = arith.constant 8191 : i32
      %not3A_494 = arith.constant -1 : i32
      %not3A_495 = arith.xori %not3A_493, %not3A_494 : i32
      %and3A_496 = vector.broadcast %not3A_495 : i32 to vector<256x512xi32>
      %and3A_497 = arith.andi %bitcast_convert_type3A_492, %and3A_496 : vector<256x512xi32>
      %mul3A_498 = arith.constant 512 : i32
      %mul3A_499 = arith.muli %scan3A_469, %mul3A_498 : i32
      %add3A_500 = vector.broadcast %mul3A_499 : i32 to vector<256x512xi32>
      %add3A_501 = arith.addi %iota3A, %add3A_500 : vector<256x512xi32>
      %or3A_502 = arith.ori %and3A_497, %add3A_501 : vector<256x512xi32>
      %reduce_min3A_503 = arith.constant dense<2147483647> : vector<256xi32>
      %reduce_min3A_504 = vector.multi_reduction <minsi>, %or3A_502, %reduce_min3A_503 [1] : vector<256x512xi32> to vector<256xi32>
      %broadcast_in_dim3A_505 = vector.shape_cast %reduce_min3A_504 : vector<256xi32> to vector<256x1xi32>
      %min3A_506 = arith.minsi %min3A_468, %broadcast_in_dim3A_505 : vector<256x1xi32>
      %scan3A_507 = arith.constant 12 : i32
      %mul3A_508 = arith.constant 512 : i32
      %mul3A_509 = arith.muli %scan3A_507, %mul3A_508 : i32
      %get3A_510 = arith.index_cast %mul3A_509 : i32 to index
      %get3A_511 = arith.constant 0 : index
      %get3A_512 = vector.load %arg5[%get3A_510, %get3A_511] : memref<8192x256xbf16, #tpu.memory_space<vmem>>, vector<512x256xbf16>
      %mul3A_513 = arith.constant 512 : i32
      %mul3A_514 = arith.muli %scan3A_507, %mul3A_513 : i32
      %get3A_515 = arith.constant 0 : index
      %get3A_516 = arith.index_cast %mul3A_514 : i32 to index
      %get3A_517 = vector.load %arg4[%get3A_515, %get3A_516] : memref<1x8192xf32, #tpu.memory_space<vmem>>, vector<1x512xf32>
      %dot_general3A_518 = arith.constant dense<0.000000e+00> : vector<256x512xf32>
      %dot_general3A_519 = tpu.matmul %get3A_34, %get3A_512, %dot_general3A_518 {dimension_numbers = #tpu.dot_dimension_numbers<[1], [1], [0], [0], [0, 0, 1, 0], [], []>, transpose_lhs_hint = false} : vector<256x256xbf16>, vector<512x256xbf16>, vector<256x512xf32> -> vector<256x512xf32>
      %add3A_520 = vector.broadcast %get3A_37 : vector<256x1xf32> to vector<256x512xf32>
      %add3A_521 = vector.broadcast %get3A_517 : vector<1x512xf32> to vector<256x512xf32>
      %add3A_522 = arith.addf %add3A_520, %add3A_521 : vector<256x512xf32>
      %mul3A_523 = arith.constant -2.000000e+00 : f32
      %mul3A_524 = vector.broadcast %mul3A_523 : f32 to vector<256x512xf32>
      %mul3A_525 = arith.mulf %dot_general3A_519, %mul3A_524 : vector<256x512xf32>
      %add3A_526 = arith.addf %add3A_522, %mul3A_525 : vector<256x512xf32>
      %max3A_527 = arith.constant 0.000000e+00 : f32
      %max3A_528 = vector.broadcast %max3A_527 : f32 to vector<256x512xf32>
      %max3A_529 = arith.maximumf %add3A_526, %max3A_528 : vector<256x512xf32>
      %bitcast_convert_type3A_530 = tpu.bitcast %max3A_529 : vector<256x512xf32> -> vector<256x512xi32>
      %not3A_531 = arith.constant 8191 : i32
      %not3A_532 = arith.constant -1 : i32
      %not3A_533 = arith.xori %not3A_531, %not3A_532 : i32
      %and3A_534 = vector.broadcast %not3A_533 : i32 to vector<256x512xi32>
      %and3A_535 = arith.andi %bitcast_convert_type3A_530, %and3A_534 : vector<256x512xi32>
      %mul3A_536 = arith.constant 512 : i32
      %mul3A_537 = arith.muli %scan3A_507, %mul3A_536 : i32
      %add3A_538 = vector.broadcast %mul3A_537 : i32 to vector<256x512xi32>
      %add3A_539 = arith.addi %iota3A, %add3A_538 : vector<256x512xi32>
      %or3A_540 = arith.ori %and3A_535, %add3A_539 : vector<256x512xi32>
      %reduce_min3A_541 = arith.constant dense<2147483647> : vector<256xi32>
      %reduce_min3A_542 = vector.multi_reduction <minsi>, %or3A_540, %reduce_min3A_541 [1] : vector<256x512xi32> to vector<256xi32>
      %broadcast_in_dim3A_543 = vector.shape_cast %reduce_min3A_542 : vector<256xi32> to vector<256x1xi32>
      %min3A_544 = arith.minsi %min3A_506, %broadcast_in_dim3A_543 : vector<256x1xi32>
      %scan3A_545 = arith.constant 13 : i32
      %mul3A_546 = arith.constant 512 : i32
      %mul3A_547 = arith.muli %scan3A_545, %mul3A_546 : i32
      %get3A_548 = arith.index_cast %mul3A_547 : i32 to index
      %get3A_549 = arith.constant 0 : index
      %get3A_550 = vector.load %arg5[%get3A_548, %get3A_549] : memref<8192x256xbf16, #tpu.memory_space<vmem>>, vector<512x256xbf16>
      %mul3A_551 = arith.constant 512 : i32
      %mul3A_552 = arith.muli %scan3A_545, %mul3A_551 : i32
      %get3A_553 = arith.constant 0 : index
      %get3A_554 = arith.index_cast %mul3A_552 : i32 to index
      %get3A_555 = vector.load %arg4[%get3A_553, %get3A_554] : memref<1x8192xf32, #tpu.memory_space<vmem>>, vector<1x512xf32>
      %dot_general3A_556 = arith.constant dense<0.000000e+00> : vector<256x512xf32>
      %dot_general3A_557 = tpu.matmul %get3A_34, %get3A_550, %dot_general3A_556 {dimension_numbers = #tpu.dot_dimension_numbers<[1], [1], [0], [0], [0, 0, 1, 0], [], []>, transpose_lhs_hint = false} : vector<256x256xbf16>, vector<512x256xbf16>, vector<256x512xf32> -> vector<256x512xf32>
      %add3A_558 = vector.broadcast %get3A_37 : vector<256x1xf32> to vector<256x512xf32>
      %add3A_559 = vector.broadcast %get3A_555 : vector<1x512xf32> to vector<256x512xf32>
      %add3A_560 = arith.addf %add3A_558, %add3A_559 : vector<256x512xf32>
      %mul3A_561 = arith.constant -2.000000e+00 : f32
      %mul3A_562 = vector.broadcast %mul3A_561 : f32 to vector<256x512xf32>
      %mul3A_563 = arith.mulf %dot_general3A_557, %mul3A_562 : vector<256x512xf32>
      %add3A_564 = arith.addf %add3A_560, %mul3A_563 : vector<256x512xf32>
      %max3A_565 = arith.constant 0.000000e+00 : f32
      %max3A_566 = vector.broadcast %max3A_565 : f32 to vector<256x512xf32>
      %max3A_567 = arith.maximumf %add3A_564, %max3A_566 : vector<256x512xf32>
      %bitcast_convert_type3A_568 = tpu.bitcast %max3A_567 : vector<256x512xf32> -> vector<256x512xi32>
      %not3A_569 = arith.constant 8191 : i32
      %not3A_570 = arith.constant -1 : i32
      %not3A_571 = arith.xori %not3A_569, %not3A_570 : i32
      %and3A_572 = vector.broadcast %not3A_571 : i32 to vector<256x512xi32>
      %and3A_573 = arith.andi %bitcast_convert_type3A_568, %and3A_572 : vector<256x512xi32>
      %mul3A_574 = arith.constant 512 : i32
      %mul3A_575 = arith.muli %scan3A_545, %mul3A_574 : i32
      %add3A_576 = vector.broadcast %mul3A_575 : i32 to vector<256x512xi32>
      %add3A_577 = arith.addi %iota3A, %add3A_576 : vector<256x512xi32>
      %or3A_578 = arith.ori %and3A_573, %add3A_577 : vector<256x512xi32>
      %reduce_min3A_579 = arith.constant dense<2147483647> : vector<256xi32>
      %reduce_min3A_580 = vector.multi_reduction <minsi>, %or3A_578, %reduce_min3A_579 [1] : vector<256x512xi32> to vector<256xi32>
      %broadcast_in_dim3A_581 = vector.shape_cast %reduce_min3A_580 : vector<256xi32> to vector<256x1xi32>
      %min3A_582 = arith.minsi %min3A_544, %broadcast_in_dim3A_581 : vector<256x1xi32>
      %scan3A_583 = arith.constant 14 : i32
      %mul3A_584 = arith.constant 512 : i32
      %mul3A_585 = arith.muli %scan3A_583, %mul3A_584 : i32
      %get3A_586 = arith.index_cast %mul3A_585 : i32 to index
      %get3A_587 = arith.constant 0 : index
      %get3A_588 = vector.load %arg5[%get3A_586, %get3A_587] : memref<8192x256xbf16, #tpu.memory_space<vmem>>, vector<512x256xbf16>
      %mul3A_589 = arith.constant 512 : i32
      %mul3A_590 = arith.muli %scan3A_583, %mul3A_589 : i32
      %get3A_591 = arith.constant 0 : index
      %get3A_592 = arith.index_cast %mul3A_590 : i32 to index
      %get3A_593 = vector.load %arg4[%get3A_591, %get3A_592] : memref<1x8192xf32, #tpu.memory_space<vmem>>, vector<1x512xf32>
      %dot_general3A_594 = arith.constant dense<0.000000e+00> : vector<256x512xf32>
      %dot_general3A_595 = tpu.matmul %get3A_34, %get3A_588, %dot_general3A_594 {dimension_numbers = #tpu.dot_dimension_numbers<[1], [1], [0], [0], [0, 0, 1, 0], [], []>, transpose_lhs_hint = false} : vector<256x256xbf16>, vector<512x256xbf16>, vector<256x512xf32> -> vector<256x512xf32>
      %add3A_596 = vector.broadcast %get3A_37 : vector<256x1xf32> to vector<256x512xf32>
      %add3A_597 = vector.broadcast %get3A_593 : vector<1x512xf32> to vector<256x512xf32>
      %add3A_598 = arith.addf %add3A_596, %add3A_597 : vector<256x512xf32>
      %mul3A_599 = arith.constant -2.000000e+00 : f32
      %mul3A_600 = vector.broadcast %mul3A_599 : f32 to vector<256x512xf32>
      %mul3A_601 = arith.mulf %dot_general3A_595, %mul3A_600 : vector<256x512xf32>
      %add3A_602 = arith.addf %add3A_598, %mul3A_601 : vector<256x512xf32>
      %max3A_603 = arith.constant 0.000000e+00 : f32
      %max3A_604 = vector.broadcast %max3A_603 : f32 to vector<256x512xf32>
      %max3A_605 = arith.maximumf %add3A_602, %max3A_604 : vector<256x512xf32>
      %bitcast_convert_type3A_606 = tpu.bitcast %max3A_605 : vector<256x512xf32> -> vector<256x512xi32>
      %not3A_607 = arith.constant 8191 : i32
      %not3A_608 = arith.constant -1 : i32
      %not3A_609 = arith.xori %not3A_607, %not3A_608 : i32
      %and3A_610 = vector.broadcast %not3A_609 : i32 to vector<256x512xi32>
      %and3A_611 = arith.andi %bitcast_convert_type3A_606, %and3A_610 : vector<256x512xi32>
      %mul3A_612 = arith.constant 512 : i32
      %mul3A_613 = arith.muli %scan3A_583, %mul3A_612 : i32
      %add3A_614 = vector.broadcast %mul3A_613 : i32 to vector<256x512xi32>
      %add3A_615 = arith.addi %iota3A, %add3A_614 : vector<256x512xi32>
      %or3A_616 = arith.ori %and3A_611, %add3A_615 : vector<256x512xi32>
      %reduce_min3A_617 = arith.constant dense<2147483647> : vector<256xi32>
      %reduce_min3A_618 = vector.multi_reduction <minsi>, %or3A_616, %reduce_min3A_617 [1] : vector<256x512xi32> to vector<256xi32>
      %broadcast_in_dim3A_619 = vector.shape_cast %reduce_min3A_618 : vector<256xi32> to vector<256x1xi32>
      %min3A_620 = arith.minsi %min3A_582, %broadcast_in_dim3A_619 : vector<256x1xi32>
      %scan3A_621 = arith.constant 15 : i32
      %mul3A_622 = arith.constant 512 : i32
      %mul3A_623 = arith.muli %scan3A_621, %mul3A_622 : i32
      %get3A_624 = arith.index_cast %mul3A_623 : i32 to index
      %get3A_625 = arith.constant 0 : index
      %get3A_626 = vector.load %arg5[%get3A_624, %get3A_625] : memref<8192x256xbf16, #tpu.memory_space<vmem>>, vector<512x256xbf16>
      %mul3A_627 = arith.constant 512 : i32
      %mul3A_628 = arith.muli %scan3A_621, %mul3A_627 : i32
      %get3A_629 = arith.constant 0 : index
      %get3A_630 = arith.index_cast %mul3A_628 : i32 to index
      %get3A_631 = vector.load %arg4[%get3A_629, %get3A_630] : memref<1x8192xf32, #tpu.memory_space<vmem>>, vector<1x512xf32>
      %dot_general3A_632 = arith.constant dense<0.000000e+00> : vector<256x512xf32>
      %dot_general3A_633 = tpu.matmul %get3A_34, %get3A_626, %dot_general3A_632 {dimension_numbers = #tpu.dot_dimension_numbers<[1], [1], [0], [0], [0, 0, 1, 0], [], []>, transpose_lhs_hint = false} : vector<256x256xbf16>, vector<512x256xbf16>, vector<256x512xf32> -> vector<256x512xf32>
      %add3A_634 = vector.broadcast %get3A_37 : vector<256x1xf32> to vector<256x512xf32>
      %add3A_635 = vector.broadcast %get3A_631 : vector<1x512xf32> to vector<256x512xf32>
      %add3A_636 = arith.addf %add3A_634, %add3A_635 : vector<256x512xf32>
      %mul3A_637 = arith.constant -2.000000e+00 : f32
      %mul3A_638 = vector.broadcast %mul3A_637 : f32 to vector<256x512xf32>
      %mul3A_639 = arith.mulf %dot_general3A_633, %mul3A_638 : vector<256x512xf32>
      %add3A_640 = arith.addf %add3A_636, %mul3A_639 : vector<256x512xf32>
      %max3A_641 = arith.constant 0.000000e+00 : f32
      %max3A_642 = vector.broadcast %max3A_641 : f32 to vector<256x512xf32>
      %max3A_643 = arith.maximumf %add3A_640, %max3A_642 : vector<256x512xf32>
      %bitcast_convert_type3A_644 = tpu.bitcast %max3A_643 : vector<256x512xf32> -> vector<256x512xi32>
      %not3A_645 = arith.constant 8191 : i32
      %not3A_646 = arith.constant -1 : i32
      %not3A_647 = arith.xori %not3A_645, %not3A_646 : i32
      %and3A_648 = vector.broadcast %not3A_647 : i32 to vector<256x512xi32>
      %and3A_649 = arith.andi %bitcast_convert_type3A_644, %and3A_648 : vector<256x512xi32>
      %mul3A_650 = arith.constant 512 : i32
      %mul3A_651 = arith.muli %scan3A_621, %mul3A_650 : i32
      %add3A_652 = vector.broadcast %mul3A_651 : i32 to vector<256x512xi32>
      %add3A_653 = arith.addi %iota3A, %add3A_652 : vector<256x512xi32>
      %or3A_654 = arith.ori %and3A_649, %add3A_653 : vector<256x512xi32>
      %reduce_min3A_655 = arith.constant dense<2147483647> : vector<256xi32>
      %reduce_min3A_656 = vector.multi_reduction <minsi>, %or3A_654, %reduce_min3A_655 [1] : vector<256x512xi32> to vector<256xi32>
      %broadcast_in_dim3A_657 = vector.shape_cast %reduce_min3A_656 : vector<256xi32> to vector<256x1xi32>
      %min3A_658 = arith.minsi %min3A_620, %broadcast_in_dim3A_657 : vector<256x1xi32>
      %scan3A_659 = arith.constant 16 : i32
      scf.yield %min3A_658 : vector<256x1xi32>
    } else {
      scf.yield %broadcast_in_dim3A_38 : vector<256x1xi32>
    }
    %and3A_42 = arith.constant 8191 : i32
    %and3A_43 = vector.broadcast %and3A_42 : i32 to vector<256x1xi32>
    %and3A_44 = arith.andi %cond3A_41, %and3A_43 : vector<256x1xi32>
    %iota3A_45 = tpu.iota {dimensions = array<i32: 0>} : vector<256x1xi32>
    %lt3A_46 = vector.broadcast %sub3A_31 : i32 to vector<256x1xi32>
    %lt3A_47 = arith.cmpi slt, %iota3A_45, %lt3A_46 : vector<256x1xi32>
    %jit3A_48 = arith.constant -1 : i32
    %broadcast_in_dim3A_49 = vector.broadcast %jit3A_48 : i32 to vector<256x1xi32>
    %select_n3A_50 = arith.select %lt3A_47, %and3A_44, %broadcast_in_dim3A_49 : vector<256x1xi1>, vector<256x1xi32>
    %swap3A = arith.constant 0 : index
    %swap3A_51 = arith.constant 0 : index
    %swap3A_52 = vector.load %arg6[%swap3A, %swap3A_51] : memref<256x1xi32, #tpu.memory_space<vmem>>, vector<256x1xi32>
    tpu.vector_store %arg6[%swap3A, %swap3A_51], %select_n3A_50 {strides = array<i32>} : memref<256x1xi32, #tpu.memory_space<vmem>>, vector<256x1xi32>,
    %jit3A_53 = arith.constant 8192 : i32
    %broadcast_in_dim3A_54 = vector.broadcast %jit3A_53 : i32 to vector<256x1xi32>
    %select_n3A_55 = arith.select %lt3A_47, %and3A_44, %broadcast_in_dim3A_54 : vector<256x1xi1>, vector<256x1xi32>
    %swap3A_56 = arith.constant 0 : index
    %swap3A_57 = arith.constant 0 : index
    %swap3A_58 = vector.load %arg7[%swap3A_56, %swap3A_57] : memref<256x1xi32, #tpu.memory_space<vmem>>, vector<256x1xi32>
    tpu.vector_store %arg7[%swap3A_56, %swap3A_57], %select_n3A_55 {strides = array<i32>} : memref<256x1xi32, #tpu.memory_space<vmem>>, vector<256x1xi32>,
    return
  }
  func.func @transform_0(%arg0: i32) -> i32 {
    %c0_i32 = arith.constant 0 : i32
    %c0_i32_0 = arith.constant 0 : i32
    return %c0_i32 : i32
  }
  func.func @transform_1(%arg0: i32) -> (i32, i32) {
    %c0_i32 = arith.constant 0 : i32
    %c0_i32_0 = arith.constant 0 : i32
    return %arg0, %c0_i32 : i32, i32
  }
  func.func @transform_2(%arg0: i32) -> (i32, i32) {
    %c0_i32 = arith.constant 0 : i32
    %c0_i32_0 = arith.constant 0 : i32
    return %arg0, %c0_i32 : i32, i32
  }
  func.func @transform_3(%arg0: i32) -> (i32, i32) {
    %c0_i32 = arith.constant 0 : i32
    %c0_i32_0 = arith.constant 0 : i32
    %c0_i32_1 = arith.constant 0 : i32
    return %c0_i32, %c0_i32_0 : i32, i32
  }
  func.func @transform_4(%arg0: i32) -> (i32, i32) {
    %c0_i32 = arith.constant 0 : i32
    %c0_i32_0 = arith.constant 0 : i32
    %c0_i32_1 = arith.constant 0 : i32
    return %c0_i32, %c0_i32_0 : i32, i32
  }
  func.func @transform_5(%arg0: i32) -> (i32, i32) {
    %c0_i32 = arith.constant 0 : i32
    %c0_i32_0 = arith.constant 0 : i32
    return %arg0, %c0_i32 : i32, i32
  }
  func.func @transform_6(%arg0: i32) -> (i32, i32) {
    %c0_i32 = arith.constant 0 : i32
    %c0_i32_0 = arith.constant 0 : i32
    return %arg0, %c0_i32 : i32, i32
  }
}

</mosaic_0001>

<sc_bundles>
// kernel: kernel.4.cloned.1.call-start
scs
__scs_entry_jumppad:
0x0: {  	(pc) =	sbr.rel $0x88, $3  }
0x1: {  	(tag) =	ssettag $0x0;
	lr =	simm.s32 $0x1  }
0x2: {  	[smem:$0x3F9E] =	sst lr;
	_ =	strace $0xD0000000  }
0x3: {  	_ = 	snop  }
0x4: {  	_ = 	snop  }
0x5: {  	_ = 	snop  }
0x6: {  	_ = 	snop  }
0x7: {  	_ = 	snop  }
__scs_overlays_trampoline_lowered:
0x8: {  	[smem:$0x3FAD] =	sst s0  }
0x9: {  	[smem:$0x3FAE] =	sst s1  }
0xa: {  	[smem:$0x3FAF] =	sst s2  }
0xb: {  	[smem:$0x3FB0] =	sst s3  }
0xc: {  	[smem:$0x3FB1] =	sst s4  }
0xd: {  	[smem:$0x3FB2] =	sst s5  }
0xe: {  	[smem:$0x3FB3] =	sst s6  }
0xf: {  	[smem:$0x3FB4] =	sst s7  }
0x10: {  	[smem:$0x3FB5] =	sst s8  }
0x11: {  	[smem:$0x3FB6] =	sst s9;
	s0 =	simm.s32 @!p0 $0x0  }
0x12: {  	s1 =	sld [smem:$0x3F9C];
	s0 =	simm.s32 @p0 $0x1  }
0x13: {  	[smem:$0x3FB7] =	sst s0;
	s0 =	simm.s32 @!p1 $0x0  }
0x14: {  	s2 =	sld [smem:$0x3F9B];
	s0 =	simm.s32 @p1 $0x1  }
0x15: {  	[smem:$0x3FB8] =	sst s0;
	s0 =	simm.s32 @!p2 $0x0  }
0x16: {  	s3 =	sld [smem:$0x3FDB];
	s0 =	simm.s32 @p2 $0x1  }
0x17: {  	s4 =	simm.s32 $0x1BF5;
	[smem:$0x3FBA] =	sst s0  }
0x18: {  	s0 =	sld [smem:$0x3F9D];
	_ =	swait.ge [sflag:s4], $0x0  }
0x19: {  	s7 =	sld [smem:$0x3F9E]  }
0x1a: {  	s8 =	sadd.s32 $0xFFFFE003, lr  }
0x1b: {  	s9 =	sadd.s32 $0xFFFFFEF7, lr;
	s5 =	simm.s32 $0xFFFFFFFF;
	p2 =	slt.u32 s8, $0xFFFFF086  }
0x1c: {  	p1 =	slt.u32 s9, $0xF7A;
	s5 =	simm.s32 @!p2 $0x0  }
0x1d: {  	s5 =	simm.s32 @p1 $0x1;
	p0 =	seq.s32 s7, s2  }
0x1e: {  	s7 =	smul.u32 @!p0 $0xF7A, s2;
	p2 =	seq.s32 @!p0 s5, $0x0  }
0x1f: {  	s9 =	smul.u32 $0xF7A, s1;
	s8 =	simm.s32 @!p0 $0x1BF5;
	p2 =	por !p2, p0  }
0x20: {  	[sflag:s8] =	ssyncset.s32 @!p0 $0xFFFFF086;
	s6 =	sadd.s32 @!p0 s3, s7;
	s7 =	simm.s32 @!p0 $0x108  }
0x21: {  	s3 =	sadd.s32 s3, s9;
	s6 =	sadd.s32 @!p0 $0x88, s6;
	s7 =	simm.s32 @p2 $0x1082  }
0x22: {  	[simem:s7], [sflag:s8] =	dma.local @!p0 [hbm:s6], $0xF7A  }
0x23: {  	s9 =	sor.u32 $0xD0000000, s2;
	s6 =	simm.s32 $0x108;
	_ =	swait.ge @!p0 [sflag:s8], $0x0  }
0x24: {  	s3 =	sadd.s32 $0x88, s3;
	s6 =	simm.s32 @!p1 $0x1082;
	[sflag:s4] =	ssyncset.s32 $0xFFFFF086  }
0x25: {  	[simem:s6], [sflag:s4] =	dma.local [hbm:s3], $0xF7A  }
0x26: {  	[smem:$0x3F9E] =	sst s1;
	(tag) =	ssettag s2;
	_ =	strace s9  }
0x27: {  	s1 =	sld [smem:$0x3FAE]  }
0x28: {  	s2 =	sld [smem:$0x3FAF]  }
0x29: {  	s4 =	sld [smem:$0x3FB1]  }
0x2a: {  	p0 =	seq.s32 s5, $0x0;
	s5 =	sld [smem:$0x3FB2]  }
0x2b: {  	s6 =	sld [smem:$0x3FB3]  }
0x2c: {  	s7 =	sld [smem:$0x3FB4]  }
0x2d: {  	s3 =	simm.s32 $0x108;
	s8 =	sld [smem:$0x3FB5]  }
0x2e: {  	s3 =	simm.s32 @!p0 $0x1082;
	s9 =	sld [smem:$0x3FB6]  }
0x2f: {  	lr =	sadd.s32 s0, s3;
	s0 =	sld [smem:$0x3FAD]  }
0x30: {  	s3 =	sld [smem:$0x3FB0]  }
0x31: {  	[smem:$0x3FB9] =	sst s10  }
0x32: {  	s10 =	sld [smem:$0x3FB7];
	_ =	sdelay $0x3  }
0x33: {  	p0 =	seq.s32 s10, $0x1;
	s10 =	sld [smem:$0x3FB9];
	_ =	sdelay $0x3  }
0x34: {  	[smem:$0x3FB9] =	sst s10  }
0x35: {  	s10 =	sld [smem:$0x3FB8];
	_ =	sdelay $0x3  }
0x36: {  	p1 =	seq.s32 s10, $0x1;
	s10 =	sld [smem:$0x3FB9];
	_ =	sdelay $0x3  }
0x37: {  	[smem:$0x3FB9] =	sst s10  }
0x38: {  	s10 =	sld [smem:$0x3FBA]  }
0x39: {  	_ = 	snop;
	(pc) =	sbr.ind lr, $3  }
0x3a: {  	_ = 	snop  }
0x3b: {  	_ = 	snop  }
0x3c: {  	p2 =	seq.s32 s10, $0x1;
	s10 =	sld [smem:$0x3FB9]  }
0x3d: {  	_ =	shalt  }
0x3e: {  	_ =	shalt  }
0x3f: {  	_ =	shalt  }
0x40: {  	_ =	shalt  }
0x41: {  	_ =	shalt  }
0x42: {  	_ =	shalt  }
0x43: {  	_ =	shalt  }
0x44: {  	_ =	shalt  }
0x45: {  	_ =	shalt  }
0x46: {  	_ =	shalt  }
0x47: {  	_ =	shalt  }
0x48: {  	_ =	shalt  }
0x49: {  	_ =	shalt  }
0x4a: {  	_ =	shalt  }
0x4b: {  	_ =	shalt  }
0x4c: {  	_ =	shalt  }
0x4d: {  	_ =	shalt  }
0x4e: {  	_ =	shalt  }
0x4f: {  	_ =	shalt  }
0x50: {  	_ =	shalt  }
0x51: {  	_ =	shalt  }
0x52: {  	_ =	shalt  }
0x53: {  	_ =	shalt  }
0x54: {  	_ =	shalt  }
0x55: {  	_ =	shalt  }
0x56: {  	_ =	shalt  }
0x57: {  	_ =	shalt  }
0x58: {  	_ =	shalt  }
0x59: {  	_ =	shalt  }
0x5a: {  	_ =	shalt  }
0x5b: {  	_ =	shalt  }
0x5c: {  	_ =	shalt  }
0x5d: {  	_ =	shalt  }
0x5e: {  	_ =	shalt  }
0x5f: {  	_ =	shalt  }
0x60: {  	_ =	shalt  }
0x61: {  	_ =	shalt  }
0x62: {  	_ =	shalt  }
0x63: {  	_ =	shalt  }
0x64: {  	_ =	shalt  }
0x65: {  	_ =	shalt  }
0x66: {  	_ =	shalt  }
0x67: {  	_ =	shalt  }
0x68: {  	_ =	shalt  }
0x69: {  	_ =	shalt  }
0x6a: {  	_ =	shalt  }
0x6b: {  	_ =	shalt  }
0x6c: {  	_ =	shalt  }
0x6d: {  	_ =	shalt  }
0x6e: {  	_ =	shalt  }
0x6f: {  	_ =	shalt  }
0x70: {  	_ =	shalt  }
0x71: {  	_ =	shalt  }
0x72: {  	_ =	shalt  }
0x73: {  	_ =	shalt  }
0x74: {  	_ =	shalt  }
0x75: {  	_ =	shalt  }
0x76: {  	_ =	shalt  }
0x77: {  	_ =	shalt  }
0x78: {  	_ =	shalt  }
0x79: {  	_ =	shalt  }
0x7a: {  	_ =	shalt  }
0x7b: {  	_ =	shalt  }
0x7c: {  	_ =	shalt  }
0x7d: {  	_ =	shalt  }
0x7e: {  	_ =	shalt  }
0x7f: {  	_ =	shalt  }
0x80: {  	_ =	shalt  }
0x81: {  	_ =	shalt  }
0x82: {  	_ =	shalt  }
0x83: {  	_ =	shalt  }
0x84: {  	_ =	shalt  }
0x85: {  	_ =	shalt  }
0x86: {  	_ =	shalt  }
0x87: {  	_ =	shalt  }
.Lfunc_end0:
.L_simem_size_0:
called_computation_lowered:
.L_overlay_start_0:
0x88: {  	s2 =	sld [smem:$0x3FD9]  }
0x89: {  	s3 =	sld [smem:$0x3FFE];
	_ =	sdelay $0x1  }
0x8a: {  	s1 =	srdreg.scid  }
0x8b: {  	s0 =	sand.u32 $0x1, s1  }
0x8c: {  	s14 =	sshll.u32 s0, $0xA;
	s2 =	sadd.s32 s3, s2  }
0x8d: {  	s2 =	sadd.s32 s2, s14  }
0x8e: {  	[smem:$0x3FC5] =	sst s2  }
0x8f: {  	_ = 	snop  }
0x90: {  	s2 =	sld [smem:$0x3FD0];
	_ =	sdelay $0x2  }
0x91: {  	s15 =	simm.s32 $0xA;
	s4 =	simm.s32 $0x10  }
0x92: {  	[smem:s4], [sflag:s15] =	dma.local [hbm:s2], $0x1  }
0x93: {  	_ =	swait.eq [sflag:s15], $0x1  }
0x94: {  	[sflag:s15] =	ssyncset.done $0x0  }
0x95: {  	[sflag:s15] =	ssyncadd.s32 $0xFFFFFFFF  }
0x96: {  	s16 =	sld [smem:$0x10];
	(tm) =	ssettm $0x1  }
0x97: {  	s17 =	sld [smem:$0x3FFB];
	_ =	sdelay $0x3  }
0x98: {  	_ =	strace s17  }
0x99: {  	s3 =	sld [smem:$0x3FFC];
	_ =	sdelay $0x3  }
0x9a: {  	_ =	strace s3  }
0x9b: {  	s3 =	sld [smem:$0x3FFD];
	_ =	sdelay $0x3  }
0x9c: {  	_ =	strace s3  }
0x9d: {  	_ =	strace $0x8FFFFFFF  }
0x9e: {  	s18 =	sld [smem:$0x3FDB];
	_ =	sdelay $0x1  }
0x9f: {  	s19 =	simm.s32 $_scs_section_size  }
0xa0: {  	s5 =	simm.s32 $_size__tile_overlayer_lowered;
	s6 =	simm.s32 $_tile_overlayer_lowered  }
0xa1: {  	s22 =	simm.s32 $0x1BFF;
	s21 =	sshll.u32 s6, $0x1;
	s3 =	sadd.s32 s19, s18  }
0xa2: {  	s7 =	simm.s32 $0x0;
	s20 =	sshll.u32 s5, $0x1;
	s5 =	sadd.s32 s21, s3  }
0xa3: {  	[timem:s7], [sflag:s22] =	dma.local [hbm:s5], s20  }
0xa4: {  	_ =	swait.ge [sflag:s22], s20  }
0xa5: {  	s4 =	ssub.s32 $0x0, s20;
	[sflag:s22] =	ssyncset.done $0x0  }
0xa6: {  	[sflag:s22] =	ssyncadd.s32 s4;
	_ =	sdelay $0x1  }
0xa7: {  	s23 =	simm.s32 $0x1B8B  }
0xa8: {  	_ =	swait.ge [sflag:s23], $0x1  }
0xa9: {  	[sflag:s23] =	ssyncset.done $0x0  }
0xaa: {  	s25 =	simm.s32 $0x1B8E;
	s24 =	sld [smem:$0x3FFE];
	[sflag:s23] =	ssyncadd.s32 $0xFFFFFFFF  }
0xab: {  	s26 =	simm.s32 $execute0_lowered;
	[smem:$0x3FD2] =	sst s25  }
0xac: {  	s5 =	sshll.u32 s26, $0x1;
	_ =	strace $0x80000046;
	[dreg:$0x1] =	wrdreg $0xFFFFFFFF  }
0xad: {  	s28 =	simm.s32 $_size_execute0_lowered;
	s3 =	sadd.s32 s3, s5;
	[dreg:$0x0] =	wrdreg $0x0  }
0xae: {  	s5 =	sshll.u32 s28, $0x1;
	[dreg:$0x2] =	wrdreg s3  }
0xaf: {  	[dreg:$0x3] =	wrdreg s5  }
0xb0: {  	[dreg:$0x4] =	wrdreg $0xC0  }
0xb1: {  	_ =	task [dreg:s7], $0x5FFFF  }
0xb2: {  	[dreg:$0x1] =	wrdreg $0xFFFFFFFF  }
0xb3: {  	[dreg:$0x0] =	wrdreg $0x60  }
0xb4: {  	[dreg:$0x2] =	wrdreg s24  }
0xb5: {  	[dreg:$0x3] =	wrdreg s16  }
0xb6: {  	[dreg:$0x4] =	wrdreg $0x9  }
0xb7: {  	_ =	task.clear_ibuf [dreg:s7], $0x5FFFF;
	_ =	strace $0x90000046  }
0xb8: {  	s29 =	simm.s32 $0x9;
	_ =	strace $0x80000048  }
0xb9: {  	_ =	swait.ge [sflag:s29], $0x1  }
0xba: {  	[sflag:s29] =	ssyncadd.s32 $0xFFFFFFFF  }
0xbb: {  	_ =	strace $0x90000048  }
0xbc: {  	_ =	sfence  }
0xbd: {  	s30 =	sld [smem:$0x0];
	_ =	sdelay $0x2  }
0xbe: {  	s31 =	sshll.u32 s1, $0xD;
	s1 =	sshrl.u32 s1, $0x2  }
0xbf: {  	s3 =	sand.u32 $0x4000, s31;
	s1 =	sadd.s32 s1, s30  }
0xc0: {  	s0 =	sor.u32 s3, s0;
	s1 =	sshll.u32 s1, $0x11  }
0xc1: {  	s0 =	sor.u32 s1, s0  }
0xc2: {  	s0 =	sadd.s32 $0x8F2B, s0  }
0xc3: {  	[sflag:s0] =	ssyncadd.remote.s32 $0x1  }
0xc4: {  	_ =	sfence.sel $0xFFFF  }
0xc5: {  	[dreg:$0x0] =	wrdreg $0xFFFFFFFF;
	(pc) =	sbr.abs _section_cstart, $3  }
0xc6: {  	[dreg:$0x1] =	wrdreg $0xFFFFFFFF  }
0xc7: {  	_ =	task.clear_ibuf [dreg:s7], $0x2FFFF;
	_ =	strace $0x9FFFFFFF  }
0xc8: {  	(tm) =	ssettm $0x7FFFFFFF  }
0xc9: {  	_ =	shalt  }
tec
execute0_lowered:
.L_overlay_start_1:
0x0: {  	(tag) =	ssettag $0x1  }
0x1: {  	s1 =	srdreg.scid;
	s2 =	rddreg [dreg:$0x0]  }
0x2: {  	s0 =	stileid.u32;
	s5 =	rddreg [dreg:$0x1];
	s19 =	simm.s32 $0x900  }
0x3: {  	s20 =	simm.s32 $0x1100;
	s21 =	simm.s32 $0x1900;
	s23 =	simm.s32 $0x2100  }
0x4: {  	s24 =	simm.s32 $0x2900;
	s25 =	simm.s32 $0x3100;
	s26 =	simm.s32 $0x3900  }
0x5: {  	s8 =	simm.s32 $0x4900;
	s9 =	simm.s32 $0x5100;
	s10 =	simm.s32 $0x5900  }
0x6: {  	s11 =	simm.s32 $0x6100;
	s12 =	simm.s32 $0x6900;
	s13 =	simm.s32 $0x7100  }
0x7: {  	s14 =	simm.s32 $0x7900;
	s15 =	simm.s32 $0x8100;
	s1 =	sand.u32 $0x1, s1  }
0x8: {  	s16 =	simm.s32 $0x8900;
	s3 =	sshll.u32 s0, $0x9;
	s4 =	sshll.u32 s1, $0x8  }
0x9: {  	s17 =	simm.s32 $0x9100;
	s4 =	sor.u32 s4, s3;
	s3 =	simm.s32 $0x0  }
0xa: {  	s18 =	simm.s32 $0x9900;
	s28 =	simm.s32 $0xE100;
	[smem:$0x7FF] =	sst s3  }
0xb: {  	s29 =	simm.s32 $0xE900;
	_ =	strace $0x80000047;
	[dreg:$0x5] =	wrdreg s19  }
0xc: {  	s30 =	simm.s32 $0xF100;
	s1 =	ssub.s32 $0x2, s1;
	[dreg:$0x6] =	wrdreg s20  }
0xd: {  	s31 =	simm.s32 $0xF900;
	s22 =	sshrl.u32 s1, $0x1;
	[dreg:$0x7] =	wrdreg s21  }
0xe: {  	s6 =	sshrl.u32 s4, $0x3;
	s4 =	sshll.u32 s4, $0x5;
	[dreg:$0x8] =	wrdreg s23  }
0xf: {  	s1 =	ssub.s32 s1, s22;
	s22 =	simm.s32 $0xB900;
	[dreg:$0x9] =	wrdreg s24  }
0x10: {  	s6 =	sadd.s32 s6, s2;
	s4 =	sadd.s32 s5, s4;
	[dreg:$0xa] =	wrdreg s25  }
0x11: {  	s5 =	simm.s32 $0x2;
	[dreg:$0xb] =	wrdreg s26;
	s19 =	simm.s32 $0xA100  }
0x12: {  	s20 =	simm.s32 $0xA900;
	s21 =	simm.s32 $0xB100;
	s23 =	simm.s32 $0xC100  }
0x13: {  	v2 =	vlaneseq.u32;
	s24 =	simm.s32 $0xC900;
	s25 =	simm.s32 $0xD100;
	s26 =	simm.s32 $0xD900  }
0x14: {  	vm0 =	vmmov $0xffff;
	v1 =	vshrl.u32 v2, $0x3;
	s6 =	sadd.s32 $0x40200, s6;
	[dreg:$0x4] =	wrdreg s4;
	s4 =	smax.u32 s1, $0x1  }
0x15: {  	v0 =	vand.u32 $0x7, v2;
	v2 =	vor.u32 $0x8, v2;
	v1 =	vmul.u32 $0x8, v1;
	s1 =	simm.s32 $0x1;
	[dreg:$0x3] =	wrdreg s6;
	s6 =	simm.s32 $0x100  }
.LBB2_1:
0x16: {  	s0 =	rddreg [dreg:$0x3]  }
0x17: {  	[tilespmem:s3], [sflag:$0x2] =	stream.linear.gather [hbm4b:s0+s3], $0x100, $0x38;
	[tilespmem:$0x10100] =	vst v63  }
0x18: {  	_ =	swait.ge [sflag:s5], $0x100  }
0x19: {  	[sflag:s5] =	ssyncset.done $0x0  }
0x1a: {  	[sflag:s5] =	ssyncadd.s32 $0xFFFFFF00  }
0x1b: {  	v3 =	vld [tilespmem:$0x0];
	_ =	sdelay $0x4  }
0x1c: {  	v4 =	vshll.u32 v3, $0x1  }
0x1d: {  	v3 =	vand.u32 $0x7, v3;
	v4 =	vand.u32 $0xFFFFFFF0, v4  }
0x1e: {  	v3 =	vor.u32 v3, v4  }
0x1f: {  	v4 =	vperm.xlane v3, v0;
	_ =	sdelay $0x1  }
0x20: {  	v3 =	vperm.xlane v3, v2;
	v4 =	vadd.s32 v1, v4;
	_ =	sdelay $0x1  }
0x21: {  	v3 =	vadd.s32 v1, v3;
	_ =	sdelay $0x2  }
0x22: {  	[tilespmem:s6], [sflag:$0x1] =	stream.indirect_vreg.gather [hbm4b:s2+s3], $0x80, v4, vm0, $0xb8;
	[tilespmem:$0x10100] =	vst v63  }
0x23: {  	s7 =	rddreg [dreg:$0x5]  }
0x24: {  	[tilespmem:s7], [sflag:$0x1] =	stream.indirect_vreg.gather [hbm4b:s2+s3], $0x80, v3, vm0, $0xb8;
	[tilespmem:$0x10100] =	vst v63  }
0x25: {  	v3 =	vld [tilespmem:$0x10];
	_ =	sdelay $0x4  }
0x26: {  	v49 =	vshll.u32 v3, $0x1  }
0x27: {  	v3 =	vand.u32 $0x7, v3;
	v4 =	vand.u32 $0xFFFFFFF0, v49  }
0x28: {  	v3 =	vor.u32 v3, v4  }
0x29: {  	v4 =	vperm.xlane v3, v0;
	_ =	sdelay $0x1  }
0x2a: {  	v3 =	vperm.xlane v3, v2;
	v4 =	vadd.s32 v1, v4;
	_ =	sdelay $0x1  }
0x2b: {  	v3 =	vadd.s32 v1, v3;
	_ =	sdelay $0x1  }
0x2c: {  	s0 =	rddreg [dreg:$0x6]  }
0x2d: {  	[tilespmem:s0], [sflag:$0x1] =	stream.indirect_vreg.gather [hbm4b:s2+s3], $0x80, v4, vm0, $0xb8;
	[tilespmem:$0x10100] =	vst v63  }
0x2e: {  	s7 =	rddreg [dreg:$0x7]  }
0x2f: {  	[tilespmem:s7], [sflag:$0x1] =	stream.indirect_vreg.gather [hbm4b:s2+s3], $0x80, v3, vm0, $0xb8;
	[tilespmem:$0x10100] =	vst v63  }
0x30: {  	v3 =	vld [tilespmem:$0x20];
	_ =	sdelay $0x4  }
0x31: {  	v50 =	vshll.u32 v3, $0x1  }
0x32: {  	v3 =	vand.u32 $0x7, v3;
	v4 =	vand.u32 $0xFFFFFFF0, v50  }
0x33: {  	v3 =	vor.u32 v3, v4  }
0x34: {  	v4 =	vperm.xlane v3, v0;
	_ =	sdelay $0x1  }
0x35: {  	v3 =	vperm.xlane v3, v2;
	v4 =	vadd.s32 v1, v4;
	_ =	sdelay $0x1  }
0x36: {  	v3 =	vadd.s32 v1, v3;
	_ =	sdelay $0x1  }
0x37: {  	s0 =	rddreg [dreg:$0x8]  }
0x38: {  	[tilespmem:s0], [sflag:$0x1] =	stream.indirect_vreg.gather [hbm4b:s2+s3], $0x80, v4, vm0, $0xb8;
	[tilespmem:$0x10100] =	vst v63  }
0x39: {  	s7 =	rddreg [dreg:$0x9]  }
0x3a: {  	[tilespmem:s7], [sflag:$0x1] =	stream.indirect_vreg.gather [hbm4b:s2+s3], $0x80, v3, vm0, $0xb8;
	[tilespmem:$0x10100] =	vst v63  }
0x3b: {  	v3 =	vld [tilespmem:$0x30];
	_ =	sdelay $0x4  }
0x3c: {  	v51 =	vshll.u32 v3, $0x1  }
0x3d: {  	v3 =	vand.u32 $0x7, v3;
	v4 =	vand.u32 $0xFFFFFFF0, v51  }
0x3e: {  	v3 =	vor.u32 v3, v4  }
0x3f: {  	v4 =	vperm.xlane v3, v0;
	_ =	sdelay $0x1  }
0x40: {  	v3 =	vperm.xlane v3, v2;
	v4 =	vadd.s32 v1, v4;
	_ =	sdelay $0x1  }
0x41: {  	v3 =	vadd.s32 v1, v3;
	_ =	sdelay $0x1  }
0x42: {  	s0 =	rddreg [dreg:$0xa]  }
0x43: {  	[tilespmem:s0], [sflag:$0x1] =	stream.indirect_vreg.gather [hbm4b:s2+s3], $0x80, v4, vm0, $0xb8;
	[tilespmem:$0x10100] =	vst v63  }
0x44: {  	s7 =	rddreg [dreg:$0xb]  }
0x45: {  	[tilespmem:s7], [sflag:$0x1] =	stream.indirect_vreg.gather [hbm4b:s2+s3], $0x80, v3, vm0, $0xb8;
	[tilespmem:$0x10100] =	vst v63  }
0x46: {  	v3 =	vld [tilespmem:$0x40];
	_ =	sdelay $0x4  }
0x47: {  	v52 =	vshll.u32 v3, $0x1  }
0x48: {  	v3 =	vand.u32 $0x7, v3;
	v4 =	vand.u32 $0xFFFFFFF0, v52  }
0x49: {  	v3 =	vor.u32 v3, v4  }
0x4a: {  	v4 =	vperm.xlane v3, v0;
	_ =	sdelay $0x1  }
0x4b: {  	v3 =	vperm.xlane v3, v2;
	v4 =	vadd.s32 v1, v4;
	_ =	sdelay $0x1  }
0x4c: {  	v3 =	vadd.s32 v1, v3;
	_ =	sdelay $0x1  }
0x4d: {  	s7 =	simm.s32 $0x4100  }
0x4e: {  	[tilespmem:s7], [sflag:$0x1] =	stream.indirect_vreg.gather [hbm4b:s2+s3], $0x80, v4, vm0, $0xb8;
	[tilespmem:$0x10100] =	vst v63  }
0x4f: {  	_ = 	snop  }
0x50: {  	[tilespmem:s8], [sflag:$0x1] =	stream.indirect_vreg.gather [hbm4b:s2+s3], $0x80, v3, vm0, $0xb8;
	[tilespmem:$0x10100] =	vst v63  }
0x51: {  	v3 =	vld [tilespmem:$0x50];
	_ =	sdelay $0x4  }
0x52: {  	v53 =	vshll.u32 v3, $0x1  }
0x53: {  	v3 =	vand.u32 $0x7, v3;
	v4 =	vand.u32 $0xFFFFFFF0, v53  }
0x54: {  	v3 =	vor.u32 v3, v4  }
0x55: {  	v4 =	vperm.xlane v3, v0;
	_ =	sdelay $0x1  }
0x56: {  	v3 =	vperm.xlane v3, v2;
	v4 =	vadd.s32 v1, v4;
	_ =	sdelay $0x1  }
0x57: {  	v3 =	vadd.s32 v1, v3;
	_ =	sdelay $0x2  }
0x58: {  	[tilespmem:s9], [sflag:$0x1] =	stream.indirect_vreg.gather [hbm4b:s2+s3], $0x80, v4, vm0, $0xb8;
	[tilespmem:$0x10100] =	vst v63  }
0x59: {  	_ = 	snop  }
0x5a: {  	[tilespmem:s10], [sflag:$0x1] =	stream.indirect_vreg.gather [hbm4b:s2+s3], $0x80, v3, vm0, $0xb8;
	[tilespmem:$0x10100] =	vst v63  }
0x5b: {  	v3 =	vld [tilespmem:$0x60];
	_ =	sdelay $0x4  }
0x5c: {  	v54 =	vshll.u32 v3, $0x1  }
0x5d: {  	v3 =	vand.u32 $0x7, v3;
	v4 =	vand.u32 $0xFFFFFFF0, v54  }
0x5e: {  	v3 =	vor.u32 v3, v4  }
0x5f: {  	v4 =	vperm.xlane v3, v0;
	_ =	sdelay $0x1  }
0x60: {  	v3 =	vperm.xlane v3, v2;
	v4 =	vadd.s32 v1, v4;
	_ =	sdelay $0x1  }
0x61: {  	v3 =	vadd.s32 v1, v3;
	_ =	sdelay $0x2  }
0x62: {  	[tilespmem:s11], [sflag:$0x1] =	stream.indirect_vreg.gather [hbm4b:s2+s3], $0x80, v4, vm0, $0xb8;
	[tilespmem:$0x10100] =	vst v63  }
0x63: {  	_ = 	snop  }
0x64: {  	[tilespmem:s12], [sflag:$0x1] =	stream.indirect_vreg.gather [hbm4b:s2+s3], $0x80, v3, vm0, $0xb8;
	[tilespmem:$0x10100] =	vst v63  }
0x65: {  	v3 =	vld [tilespmem:$0x70];
	_ =	sdelay $0x4  }
0x66: {  	v55 =	vshll.u32 v3, $0x1  }
0x67: {  	v3 =	vand.u32 $0x7, v3;
	v4 =	vand.u32 $0xFFFFFFF0, v55  }
0x68: {  	v3 =	vor.u32 v3, v4  }
0x69: {  	v4 =	vperm.xlane v3, v0;
	_ =	sdelay $0x1  }
0x6a: {  	v3 =	vperm.xlane v3, v2;
	v4 =	vadd.s32 v1, v4;
	_ =	sdelay $0x1  }
0x6b: {  	v3 =	vadd.s32 v1, v3;
	_ =	sdelay $0x2  }
0x6c: {  	[tilespmem:s13], [sflag:$0x1] =	stream.indirect_vreg.gather [hbm4b:s2+s3], $0x80, v4, vm0, $0xb8;
	[tilespmem:$0x10100] =	vst v63  }
0x6d: {  	_ = 	snop  }
0x6e: {  	[tilespmem:s14], [sflag:$0x1] =	stream.indirect_vreg.gather [hbm4b:s2+s3], $0x80, v3, vm0, $0xb8;
	[tilespmem:$0x10100] =	vst v63  }
0x6f: {  	v3 =	vld [tilespmem:$0x80];
	_ =	sdelay $0x4  }
0x70: {  	v56 =	vshll.u32 v3, $0x1  }
0x71: {  	v3 =	vand.u32 $0x7, v3;
	v4 =	vand.u32 $0xFFFFFFF0, v56  }
0x72: {  	v3 =	vor.u32 v3, v4  }
0x73: {  	v4 =	vperm.xlane v3, v0;
	_ =	sdelay $0x1  }
0x74: {  	v3 =	vperm.xlane v3, v2;
	v4 =	vadd.s32 v1, v4;
	_ =	sdelay $0x1  }
0x75: {  	v3 =	vadd.s32 v1, v3;
	_ =	sdelay $0x2  }
0x76: {  	[tilespmem:s15], [sflag:$0x1] =	stream.indirect_vreg.gather [hbm4b:s2+s3], $0x80, v4, vm0, $0xb8;
	[tilespmem:$0x10100] =	vst v63  }
0x77: {  	_ = 	snop  }
0x78: {  	[tilespmem:s16], [sflag:$0x1] =	stream.indirect_vreg.gather [hbm4b:s2+s3], $0x80, v3, vm0, $0xb8;
	[tilespmem:$0x10100] =	vst v63  }
0x79: {  	v3 =	vld [tilespmem:$0x90];
	_ =	sdelay $0x4  }
0x7a: {  	v57 =	vshll.u32 v3, $0x1  }
0x7b: {  	v3 =	vand.u32 $0x7, v3;
	v4 =	vand.u32 $0xFFFFFFF0, v57  }
0x7c: {  	v3 =	vor.u32 v3, v4  }
0x7d: {  	v4 =	vperm.xlane v3, v0;
	_ =	sdelay $0x1  }
0x7e: {  	v3 =	vperm.xlane v3, v2;
	v4 =	vadd.s32 v1, v4;
	_ =	sdelay $0x1  }
0x7f: {  	v3 =	vadd.s32 v1, v3;
	_ =	sdelay $0x2  }
0x80: {  	[tilespmem:s17], [sflag:$0x1] =	stream.indirect_vreg.gather [hbm4b:s2+s3], $0x80, v4, vm0, $0xb8;
	[tilespmem:$0x10100] =	vst v63  }
0x81: {  	_ = 	snop  }
0x82: {  	[tilespmem:s18], [sflag:$0x1] =	stream.indirect_vreg.gather [hbm4b:s2+s3], $0x80, v3, vm0, $0xb8;
	[tilespmem:$0x10100] =	vst v63  }
0x83: {  	v3 =	vld [tilespmem:$0xA0];
	_ =	sdelay $0x4  }
0x84: {  	v58 =	vshll.u32 v3, $0x1  }
0x85: {  	v3 =	vand.u32 $0x7, v3;
	v4 =	vand.u32 $0xFFFFFFF0, v58  }
0x86: {  	v3 =	vor.u32 v3, v4  }
0x87: {  	v4 =	vperm.xlane v3, v0;
	_ =	sdelay $0x1  }
0x88: {  	v3 =	vperm.xlane v3, v2;
	v4 =	vadd.s32 v1, v4;
	_ =	sdelay $0x1  }
0x89: {  	v3 =	vadd.s32 v1, v3;
	_ =	sdelay $0x2  }
0x8a: {  	[tilespmem:s19], [sflag:$0x1] =	stream.indirect_vreg.gather [hbm4b:s2+s3], $0x80, v4, vm0, $0xb8;
	[tilespmem:$0x10100] =	vst v63  }
0x8b: {  	_ = 	snop  }
0x8c: {  	[tilespmem:s20], [sflag:$0x1] =	stream.indirect_vreg.gather [hbm4b:s2+s3], $0x80, v3, vm0, $0xb8;
	[tilespmem:$0x10100] =	vst v63  }
0x8d: {  	v3 =	vld [tilespmem:$0xB0];
	_ =	sdelay $0x4  }
0x8e: {  	v59 =	vshll.u32 v3, $0x1  }
0x8f: {  	v3 =	vand.u32 $0x7, v3;
	v4 =	vand.u32 $0xFFFFFFF0, v59  }
0x90: {  	v3 =	vor.u32 v3, v4  }
0x91: {  	v4 =	vperm.xlane v3, v0;
	_ =	sdelay $0x1  }
0x92: {  	v3 =	vperm.xlane v3, v2;
	v4 =	vadd.s32 v1, v4;
	_ =	sdelay $0x1  }
0x93: {  	v3 =	vadd.s32 v1, v3;
	_ =	sdelay $0x2  }
0x94: {  	[tilespmem:s21], [sflag:$0x1] =	stream.indirect_vreg.gather [hbm4b:s2+s3], $0x80, v4, vm0, $0xb8;
	[tilespmem:$0x10100] =	vst v63  }
0x95: {  	_ = 	snop  }
0x96: {  	[tilespmem:s22], [sflag:$0x1] =	stream.indirect_vreg.gather [hbm4b:s2+s3], $0x80, v3, vm0, $0xb8;
	[tilespmem:$0x10100] =	vst v63  }
0x97: {  	v3 =	vld [tilespmem:$0xC0];
	_ =	sdelay $0x4  }
0x98: {  	v60 =	vshll.u32 v3, $0x1  }
0x99: {  	v3 =	vand.u32 $0x7, v3;
	v4 =	vand.u32 $0xFFFFFFF0, v60  }
0x9a: {  	v3 =	vor.u32 v3, v4  }
0x9b: {  	v4 =	vperm.xlane v3, v0;
	_ =	sdelay $0x1  }
0x9c: {  	v3 =	vperm.xlane v3, v2;
	v4 =	vadd.s32 v1, v4;
	_ =	sdelay $0x1  }
0x9d: {  	v3 =	vadd.s32 v1, v3;
	_ =	sdelay $0x2  }
0x9e: {  	[tilespmem:s23], [sflag:$0x1] =	stream.indirect_vreg.gather [hbm4b:s2+s3], $0x80, v4, vm0, $0xb8;
	[tilespmem:$0x10100] =	vst v63  }
0x9f: {  	_ = 	snop  }
0xa0: {  	[tilespmem:s24], [sflag:$0x1] =	stream.indirect_vreg.gather [hbm4b:s2+s3], $0x80, v3, vm0, $0xb8;
	[tilespmem:$0x10100] =	vst v63  }
0xa1: {  	v3 =	vld [tilespmem:$0xD0];
	_ =	sdelay $0x4  }
0xa2: {  	v61 =	vshll.u32 v3, $0x1  }
0xa3: {  	v3 =	vand.u32 $0x7, v3;
	v4 =	vand.u32 $0xFFFFFFF0, v61  }
0xa4: {  	v3 =	vor.u32 v3, v4  }
0xa5: {  	v4 =	vperm.xlane v3, v0;
	_ =	sdelay $0x1  }
0xa6: {  	v3 =	vperm.xlane v3, v2;
	v4 =	vadd.s32 v1, v4;
	_ =	sdelay $0x1  }
0xa7: {  	v3 =	vadd.s32 v1, v3;
	_ =	sdelay $0x2  }
0xa8: {  	[tilespmem:s25], [sflag:$0x1] =	stream.indirect_vreg.gather [hbm4b:s2+s3], $0x80, v4, vm0, $0xb8;
	[tilespmem:$0x10100] =	vst v63  }
0xa9: {  	_ = 	snop  }
0xaa: {  	[tilespmem:s26], [sflag:$0x1] =	stream.indirect_vreg.gather [hbm4b:s2+s3], $0x80, v3, vm0, $0xb8;
	[tilespmem:$0x10100] =	vst v63  }
0xab: {  	v3 =	vld [tilespmem:$0xE0];
	_ =	sdelay $0x4  }
0xac: {  	v62 =	vshll.u32 v3, $0x1  }
0xad: {  	v3 =	vand.u32 $0x7, v3;
	v4 =	vand.u32 $0xFFFFFFF0, v62  }
0xae: {  	v3 =	vor.u32 v3, v4  }
0xaf: {  	v4 =	vperm.xlane v3, v0;
	_ =	sdelay $0x1  }
0xb0: {  	v3 =	vperm.xlane v3, v2;
	v4 =	vadd.s32 v1, v4;
	_ =	sdelay $0x1  }
0xb1: {  	v3 =	vadd.s32 v1, v3;
	_ =	sdelay $0x2  }
0xb2: {  	[tilespmem:s28], [sflag:$0x1] =	stream.indirect_vreg.gather [hbm4b:s2+s3], $0x80, v4, vm0, $0xb8;
	[tilespmem:$0x10100] =	vst v63  }
0xb3: {  	_ = 	snop  }
0xb4: {  	[tilespmem:s29], [sflag:$0x1] =	stream.indirect_vreg.gather [hbm4b:s2+s3], $0x80, v3, vm0, $0xb8;
	[tilespmem:$0x10100] =	vst v63  }
0xb5: {  	v3 =	vld [tilespmem:$0xF0];
	_ =	sdelay $0x4  }
0xb6: {  	v63 =	vshll.u32 v3, $0x1  }
0xb7: {  	v3 =	vand.u32 $0x7, v3;
	v4 =	vand.u32 $0xFFFFFFF0, v63  }
0xb8: {  	v3 =	vor.u32 v3, v4  }
0xb9: {  	v4 =	vperm.xlane v3, v0;
	_ =	sdelay $0x1  }
0xba: {  	v3 =	vperm.xlane v3, v2;
	v4 =	vadd.s32 v1, v4;
	_ =	sdelay $0x1  }
0xbb: {  	v3 =	vadd.s32 v1, v3;
	_ =	sdelay $0x2  }
0xbc: {  	[tilespmem:s30], [sflag:$0x1] =	stream.indirect_vreg.gather [hbm4b:s2+s3], $0x80, v4, vm0, $0xb8;
	[tilespmem:$0x10100] =	vst v63  }
0xbd: {  	_ = 	snop  }
0xbe: {  	[tilespmem:s31], [sflag:$0x1] =	stream.indirect_vreg.gather [hbm4b:s2+s3], $0x80, v3, vm0, $0xb8;
	[tilespmem:$0x10100] =	vst v63  }
0xbf: {  	_ =	swait.ge [sflag:s1], $0x10000  }
0xc0: {  	p0 =	sne.s32 s4, $0x1;
	[sflag:s1] =	ssyncset.done $0x0  }
.Ltmp0:
0xc1: {  	s7 =	rddreg [dreg:$0x4];
	[sflag:s1] =	ssyncadd.s32 $0xFFFF0000;
	(pc) =	sbr.rel @p0 .LBB2_1-.Ltmp0, $4  }
0xc2: {  	[hbm4b:s7+s3] =	stream.linear.scatter [tilespmem:s6], [sflag:$0x2], $0x10000, $0x38;
	[tilespmem:$0x10100] =	vst v63  }
0xc3: {  	_ =	swait.ge [sflag:s5], $0x10000  }
0xc4: {  	[sflag:s5] =	ssyncset.done $0x0  }
0xc5: {  	s4 =	sadd.s32 $0xFFFFFFFF, s4;
	[sflag:s5] =	ssyncadd.s32 $0xFFFF0000  }
0xc6: {  	_ =	sfence.sel $0x180000  }
0xc7: {  	[bflag:$0x0] =	sbarrier.arrive $0xFFFF  }
0xc8: {  	_ =	strace $0x90000047  }
0xc9: {  	s0 =	stileid.u32;
	[bflag:$0x2] =	sbarrier.arrive $0xFFFF  }
0xca: {  	p0 =	sne.s32 s0, $0x0;
	s0 =	rddreg [dreg:$0x2]  }
0xcb: {  	s0 =	sadd.s32 @!p0 $0x100000, s0  }
0xcc: {  	[sflag:s0] =	ssyncadd.tile.s32 @!p0 $0x1;
	_ =	shalt  }
.Lfunc_end2:
_tile_overlayer_lowered:
.L_overlay_start_2:
0xcd: {  	(tag) =	ssettag $0x2  }
0xce: {  	s0 =	rddreg [dreg:$0x0];
	s2 =	stileid.u32  }
0xcf: {  	s1 =	rddreg [dreg:$0x1];
	p0 =	sne.s32 s2, $0x0  }
0xd0: {  	s3 =	rddreg [dreg:$0x2];
	[bflag:$0x3] =	sbarrier.arrive $0xFFFF;
	s2 =	simm.s32 @!p0 $0x1C02  }
0xd1: {  	[timem:s3], [sflag:s2] =	dma.local @!p0 [hbm:s0], s1  }
0xd2: {  	s0 =	simm.s32 @!p0 $0x2  }
0xd3: {  	_ =	swait.ge @!p0 [sflag:s0], s1  }
0xd4: {  	s1 =	ssub.s32 @!p0 $0x0, s1;
	[sflag:s0] =	ssyncset.done @!p0 $0x0  }
0xd5: {  	[sflag:s0] =	ssyncadd.s32 @!p0 s1  }
0xd6: {  	[bflag:$0x3] =	sbarrier.arrive $0xFFFF  }
0xd7: {  	_ =	shalt  }

</sc_bundles>
